<compile_context>
chip_gen: v7x
topology: tpu7x:2x2x1
jax: 0.10.2.dev20260603
libtpu: 0.0.44.dev20260713+nightly
codegen_flags: <defaults>
</compile_context>

<pallas_src>
import functools

import jax
import jax.numpy as jnp
from jax import lax
from jax.experimental import pallas as pl
from jax.experimental.pallas import tpu as pltpu
from jax.experimental.pallas import tpu_sc as plsc

N_ROWS = 16384
D = 4096
EMA_M = 0.05

NC, NS, L = 2, 16, 16
NW = NC * NS
NCOL = D // L
CH = 8
NBUF = 3

R_SC = 1536
R_TC = N_ROWS - R_SC
SC_ROWS_PER_W = R_SC // NW
SC_NCH = SC_ROWS_PER_W // CH

BR = 512
TC_GRID = R_TC // BR


def _sc_reduce_body(z_hbm, out_hbm, bufs, acc, sems):
    wid = lax.axis_index("s") * NC + lax.axis_index("c")
    row0 = wid * SC_ROWS_PER_W

    def _zero(s, _):
        acc[0, pl.ds(s * L, L)] = jnp.zeros((L,), jnp.float32)
        return _

    lax.fori_loop(0, NCOL, _zero, None)

    for b in range(NBUF):
        pltpu.make_async_copy(
            z_hbm.at[pl.ds(row0 + b * CH, CH)], bufs[b], sems[b]
        ).start()

    def _outer(i, _):
        for b in range(NBUF):
            buf, sem = bufs[b], sems[b]
            c = i * NBUF + b
            pltpu.make_async_copy(z_hbm.at[pl.ds(row0, CH)], buf, sem).wait()

            @plsc.parallel_loop(0, NCOL, 1, unroll=4)
            def _col(s, buf=buf):
                ds = pl.ds(s * L, L)
                v0 = buf[0, ds] + buf[1, ds]
                v1 = buf[2, ds] + buf[3, ds]
                v2 = buf[4, ds] + buf[5, ds]
                v3 = buf[6, ds] + buf[7, ds]
                acc[0, ds] = acc[0, ds] + ((v0 + v1) + (v2 + v3))

            @pl.when(i < SC_NCH // NBUF - 1)
            def _issue(buf=buf, sem=sem, c=c):
                pltpu.make_async_copy(
                    z_hbm.at[pl.ds(row0 + (c + NBUF) * CH, CH)], buf, sem
                ).start()

        return _

    lax.fori_loop(0, SC_NCH // NBUF, _outer, None)

    pltpu.sync_copy(acc, out_hbm.at[pl.ds(wid, 1)])


def _sc_reduce(z):
    mesh = plsc.VectorSubcoreMesh(core_axis_name="c", subcore_axis_name="s")
    body = lambda z_hbm, out_hbm, *rest: _sc_reduce_body(
        z_hbm, out_hbm, rest[:NBUF], rest[NBUF], rest[NBUF + 1 :]
    )
    return pl.kernel(
        body,
        out_type=jax.ShapeDtypeStruct((NW, D), jnp.float32),
        mesh=mesh,
        scratch_types=(
            [pltpu.VMEM((CH, D), jnp.float32) for _ in range(NBUF)]
            + [pltpu.VMEM((1, D), jnp.float32)]
            + [pltpu.SemaphoreType.DMA for _ in range(NBUF)]
        ),
    )(z)


def _tc_reduce_body(z_ref, out_ref, acc_ref):
    i = pl.program_id(0)

    @pl.when(i == 0)
    def _init():
        acc_ref[...] = jnp.zeros_like(acc_ref)

    acc_ref[...] += jnp.sum(z_ref[...].reshape(BR // 8, 8, D), axis=0)

    @pl.when(i == TC_GRID - 1)
    def _finish():
        out_ref[...] = acc_ref[...]


def _tc_reduce(z):
    return pl.pallas_call(
        _tc_reduce_body,
        grid=(TC_GRID,),
        in_specs=[pl.BlockSpec((BR, D), lambda i: (i + R_SC // BR, 0))],
        out_specs=pl.BlockSpec((8, D), lambda i: (0, 0)),
        out_shape=jax.ShapeDtypeStruct((8, D), jnp.float32),
        scratch_shapes=[pltpu.VMEM((8, D), jnp.float32)],
        compiler_params=pltpu.CompilerParams(
            dimension_semantics=("arbitrary",),
        ),
    )(z)


def _combine_body(slot_ref, sc_ref, tc_ref, p_ref, out_ref):
    out_ref[...] = p_ref[...]
    total = jnp.sum(sc_ref[...], axis=0, keepdims=True) + jnp.sum(
        tc_ref[...], axis=0, keepdims=True
    )
    zmean = total * (1.0 / N_ROWS)
    slot = slot_ref[0]
    old = p_ref[pl.ds(slot, 1), :]
    out_ref[pl.ds(slot, 1), :] = (1.0 - EMA_M) * old + EMA_M * zmean


def _combine(sc_partials, tc_partial, p2, slot):
    nslots = p2.shape[0]
    return pl.pallas_call(
        _combine_body,
        grid_spec=pltpu.PrefetchScalarGridSpec(
            num_scalar_prefetch=1,
            grid=(1,),
            in_specs=[
                pl.BlockSpec((NW, D), lambda i, s: (0, 0)),
                pl.BlockSpec((8, D), lambda i, s: (0, 0)),
                pl.BlockSpec((nslots, D), lambda i, s: (0, 0)),
            ],
            out_specs=pl.BlockSpec((nslots, D), lambda i, s: (0, 0)),
        ),
        out_shape=jax.ShapeDtypeStruct((nslots, D), jnp.float32),
    )(slot, sc_partials, tc_partial, p2)


def kernel(z, P_tumor_main, m_idx, r_idx):
    M, R, K, Dd = P_tumor_main.shape
    p2 = P_tumor_main.reshape(M * R * K, Dd)
    slot = (jnp.asarray(m_idx, jnp.int32) * R + jnp.asarray(r_idx, jnp.int32)).reshape(1)
    sc_partials = _sc_reduce(z)
    tc_partial = _tc_reduce(z)
    out = _combine(sc_partials, tc_partial, p2, slot)
    return out.reshape(M, R, K, Dd)

# --- scband reference (transcript-rebuilt; emitter-appended) ---
"""Pipeline reference for scband-prototype-memory-68255620268671 (READ-ONLY COPY).

The authoritative reference and input builder live on the scoring server;
editing this copy changes nothing except your own understanding.
"""

import jax, jax.numpy as jnp
import numpy as np

D = 4096
EMA_M = 0.05

def setup_inputs(seed: int = 0) -> dict:
    key = jax.random.key(seed)
    k1, k2 = jax.random.split(key)
    # representative samples selected by the PRM gate (weighted batch)
    z = jax.random.normal(k1, (16384, D), dtype=jnp.float32)
    # learned/persistent prototype bank P_tumor_main [4 modalities, 3 regions, Kt=1, D],
    # initialized like nn.init.normal_(std=1e-4)
    P_tumor_main = jax.random.normal(k2, (4, 3, 1, D), dtype=jnp.float32) * 1e-4
    return {"z": z, "P_tumor_main": P_tumor_main, "m_idx": 2, "r_idx": 1}

def reference(z, P_tumor_main, m_idx, r_idx):
    # Faithful translation of PrototypeMemory.ema_update_tumor (Kt=1 single slot):
    #   if z.dim()==2 and z.size(0)>1: z = z.mean(dim=0, keepdim=True)
    #   P[m_idx, r_idx, 0] = (1 - m) * P[m_idx, r_idx, 0] + m * z
    zmean = jnp.mean(z, axis=0)  # [D]
    old_slot = P_tumor_main[m_idx, r_idx, 0]  # gather the addressed prototype slot
    new_slot = (1.0 - EMA_M) * old_slot + EMA_M * zmean
    # scatter-overwrite back into the memory bank
    P_updated = P_tumor_main.at[m_idx, r_idx, 0].set(new_slot)
    return P_updated

if __name__ == "__main__":
    import jax
    _d = setup_inputs()
    print(jax.jit(kernel)(*tuple(_d.values())))

</pallas_src>

<mosaic_0001>
#map = affine_map<(d0, d1) -> (0, 0)>
module attributes {stable_mosaic.version = 14 : i64} {
  func.func @_lambda_(%arg0: i32, %arg1: i32, %arg2: memref<16384x4096xf32, #tpu.memory_space<hbm>>, %arg3: memref<32x4096xf32, #tpu.memory_space<hbm>>, %arg4: memref<8x4096xf32, #tpu.memory_space<vmem>>, %arg5: memref<8x4096xf32, #tpu.memory_space<vmem>>, %arg6: memref<8x4096xf32, #tpu.memory_space<vmem>>, %arg7: memref<1x4096xf32, #tpu.memory_space<vmem>>, %arg8: memref<!tpu.dma_semaphore, #tpu.memory_space<semaphore_mem>>, %arg9: memref<!tpu.dma_semaphore, #tpu.memory_space<semaphore_mem>>, %arg10: memref<!tpu.dma_semaphore, #tpu.memory_space<semaphore_mem>>) attributes {dimension_semantics = [#tpu.dimension_semantics<core_parallel>, #tpu.dimension_semantics<subcore_parallel>], iteration_bounds = array<i64: 2, 16>, scalar_prefetch = 0 : i64, scratch_operands = 7 : i64, tpu.core_type = #tpu.core_type<sc_vector_subcore>, window_params = [{transform_indices = #map}, {transform_indices = #map}]} {
    %mul3A = arith.constant 2 : i32
    %mul3A_0 = arith.muli %arg1, %mul3A : i32
    %add3A = arith.addi %mul3A_0, %arg0 : i32
    %mul3A_1 = arith.constant 48 : i32
    %mul3A_2 = arith.muli %add3A, %mul3A_1 : i32
    %scan3A = arith.constant 0 : i32
    %scan3A_3 = arith.constant 256 : i32
    %scan3A_4 = arith.addi %scan3A, %scan3A_3 : i32
    %scan3A_5 = arith.constant 1 : i32
    scf.for %scan3A_29 = %scan3A to %scan3A_4 step %scan3A_5  : i32 {
      %broadcast_in_dim3A = arith.constant 0.000000e+00 : f32
      %broadcast_in_dim3A_30 = vector.broadcast %broadcast_in_dim3A : f32 to vector<16xf32>
      %mul3A_31 = arith.constant 16 : i32
      %mul3A_32 = arith.muli %scan3A_29, %mul3A_31 : i32
      %swap3A = arith.constant 0 : i32
      %swap3A_33 = arith.index_cast %swap3A : i32 to index
      %swap3A_34 = arith.index_cast %mul3A_32 : i32 to index
      %swap3A_35 = tpu.vector_load %arg7[%swap3A_33, %swap3A_34] {strides = array<i32>} : memref<1x4096xf32, #tpu.memory_space<vmem>>, vector<1x16xf32>,
      %swap3A_36 = vector.shape_cast %swap3A_35 : vector<1x16xf32> to vector<16xf32>
      %swap3A_37 = vector.shape_cast %broadcast_in_dim3A_30 : vector<16xf32> to vector<1x16xf32>
      tpu.vector_store %arg7[%swap3A_33, %swap3A_34], %swap3A_37 {strides = array<i32>} : memref<1x4096xf32, #tpu.memory_space<vmem>>, vector<1x16xf32>,
    }
    %scan3A_6 = arith.constant 256 : i32
    %add3A_7 = arith.constant 0 : i32
    %add3A_8 = arith.addi %mul3A_2, %add3A_7 : i32
    %dma_start3A = arith.constant 0 : i32
    %dma_start3A_9 = tpu.memref_slice %arg2[%add3A_8, %dma_start3A] : memref<16384x4096xf32, #tpu.memory_space<hbm>> -> memref<8x4096xf32, #tpu.memory_space<hbm>>
    %dma_start3A_10 = arith.constant 0 : i32
    %dma_start3A_11 = tpu.memref_slice %arg2[%add3A_8, %dma_start3A_10] : memref<16384x4096xf32, #tpu.memory_space<hbm>> -> memref<8x4096xf32, #tpu.memory_space<hbm>>
    tpu.enqueue_dma source(%dma_start3A_11 : memref<8x4096xf32, #tpu.memory_space<hbm>>) target(%arg4 : memref<8x4096xf32, #tpu.memory_space<vmem>>) target_semaphore(%arg8 : memref<!tpu.dma_semaphore, #tpu.memory_space<semaphore_mem>>)
    %add3A_12 = arith.constant 8 : i32
    %add3A_13 = arith.addi %mul3A_2, %add3A_12 : i32
    %dma_start3A_14 = arith.constant 0 : i32
    %dma_start3A_15 = tpu.memref_slice %arg2[%add3A_13, %dma_start3A_14] : memref<16384x4096xf32, #tpu.memory_space<hbm>> -> memref<8x4096xf32, #tpu.memory_space<hbm>>
    %dma_start3A_16 = arith.constant 0 : i32
    %dma_start3A_17 = tpu.memref_slice %arg2[%add3A_13, %dma_start3A_16] : memref<16384x4096xf32, #tpu.memory_space<hbm>> -> memref<8x4096xf32, #tpu.memory_space<hbm>>
    tpu.enqueue_dma source(%dma_start3A_17 : memref<8x4096xf32, #tpu.memory_space<hbm>>) target(%arg5 : memref<8x4096xf32, #tpu.memory_space<vmem>>) target_semaphore(%arg9 : memref<!tpu.dma_semaphore, #tpu.memory_space<semaphore_mem>>)
    %add3A_18 = arith.constant 16 : i32
    %add3A_19 = arith.addi %mul3A_2, %add3A_18 : i32
    %dma_start3A_20 = arith.constant 0 : i32
    %dma_start3A_21 = tpu.memref_slice %arg2[%add3A_19, %dma_start3A_20] : memref<16384x4096xf32, #tpu.memory_space<hbm>> -> memref<8x4096xf32, #tpu.memory_space<hbm>>
    %dma_start3A_22 = arith.constant 0 : i32
    %dma_start3A_23 = tpu.memref_slice %arg2[%add3A_19, %dma_start3A_22] : memref<16384x4096xf32, #tpu.memory_space<hbm>> -> memref<8x4096xf32, #tpu.memory_space<hbm>>
    tpu.enqueue_dma source(%dma_start3A_23 : memref<8x4096xf32, #tpu.memory_space<hbm>>) target(%arg6 : memref<8x4096xf32, #tpu.memory_space<vmem>>) target_semaphore(%arg10 : memref<!tpu.dma_semaphore, #tpu.memory_space<semaphore_mem>>)
    %scan3A_24 = arith.constant 0 : i32
    %scan3A_25 = arith.constant 2 : i32
    %scan3A_26 = arith.addi %scan3A_24, %scan3A_25 : i32
    %scan3A_27 = arith.constant 1 : i32
    scf.for %scan3A_29 = %scan3A_24 to %scan3A_26 step %scan3A_27  : i32 {
      %mul3A_30 = arith.constant 3 : i32
      %mul3A_31 = arith.muli %scan3A_29, %mul3A_30 : i32
      %add3A_32 = arith.constant 0 : i32
      %add3A_33 = arith.addi %mul3A_31, %add3A_32 : i32
      %dma_wait3A = arith.constant 0 : i32
      %dma_wait3A_34 = tpu.memref_slice %arg2[%mul3A_2, %dma_wait3A] : memref<16384x4096xf32, #tpu.memory_space<hbm>> -> memref<8x4096xf32, #tpu.memory_space<hbm>>
      %dma_wait3A_35 = arith.constant 0 : i32
      %dma_wait3A_36 = tpu.memref_slice %arg2[%mul3A_2, %dma_wait3A_35] : memref<16384x4096xf32, #tpu.memory_space<hbm>> -> memref<8x4096xf32, #tpu.memory_space<hbm>>
      tpu.wait_dma2 semaphore(%arg8 : memref<!tpu.dma_semaphore, #tpu.memory_space<semaphore_mem>>) src(%dma_wait3A_36 : memref<8x4096xf32, #tpu.memory_space<hbm>>) dst(%arg4 : memref<8x4096xf32, #tpu.memory_space<vmem>>)
      %parallel_loop3A = arith.constant 0 : i32
      %parallel_loop3A_37 = arith.constant 256 : i32
      %parallel_loop3A_38 = arith.constant 1 : i32
      scf.for %parallel_loop3A_73 = %parallel_loop3A to %parallel_loop3A_37 step %parallel_loop3A_38  : i32 {
        %parallel_loop3A_74 = arith.constant 16 : i32
        %parallel_loop3A_75 = arith.muli %parallel_loop3A_73, %parallel_loop3A_74 : i32
        %parallel_loop3A_76 = arith.constant 0 : i32
        %parallel_loop3A_77 = arith.index_cast %parallel_loop3A_76 : i32 to index
        %parallel_loop3A_78 = arith.index_cast %parallel_loop3A_75 : i32 to index
        %parallel_loop3A_79 = tpu.vector_load %arg4[%parallel_loop3A_77, %parallel_loop3A_78] {strides = array<i32>} : memref<8x4096xf32, #tpu.memory_space<vmem>>, vector<1x16xf32>,
        %parallel_loop3A_80 = vector.shape_cast %parallel_loop3A_79 : vector<1x16xf32> to vector<16xf32>
        %parallel_loop3A_81 = arith.constant 1 : i32
        %parallel_loop3A_82 = arith.index_cast %parallel_loop3A_81 : i32 to index
        %parallel_loop3A_83 = arith.index_cast %parallel_loop3A_75 : i32 to index
        %parallel_loop3A_84 = tpu.vector_load %arg4[%parallel_loop3A_82, %parallel_loop3A_83] {strides = array<i32>} : memref<8x4096xf32, #tpu.memory_space<vmem>>, vector<1x16xf32>,
        %parallel_loop3A_85 = vector.shape_cast %parallel_loop3A_84 : vector<1x16xf32> to vector<16xf32>
        %parallel_loop3A_86 = arith.addf %parallel_loop3A_80, %parallel_loop3A_85 : vector<16xf32>
        %parallel_loop3A_87 = arith.constant 2 : i32
        %parallel_loop3A_88 = arith.index_cast %parallel_loop3A_87 : i32 to index
        %parallel_loop3A_89 = arith.index_cast %parallel_loop3A_75 : i32 to index
        %parallel_loop3A_90 = tpu.vector_load %arg4[%parallel_loop3A_88, %parallel_loop3A_89] {strides = array<i32>} : memref<8x4096xf32, #tpu.memory_space<vmem>>, vector<1x16xf32>,
        %parallel_loop3A_91 = vector.shape_cast %parallel_loop3A_90 : vector<1x16xf32> to vector<16xf32>
        %parallel_loop3A_92 = arith.constant 3 : i32
        %parallel_loop3A_93 = arith.index_cast %parallel_loop3A_92 : i32 to index
        %parallel_loop3A_94 = arith.index_cast %parallel_loop3A_75 : i32 to index
        %parallel_loop3A_95 = tpu.vector_load %arg4[%parallel_loop3A_93, %parallel_loop3A_94] {strides = array<i32>} : memref<8x4096xf32, #tpu.memory_space<vmem>>, vector<1x16xf32>,
        %parallel_loop3A_96 = vector.shape_cast %parallel_loop3A_95 : vector<1x16xf32> to vector<16xf32>
        %parallel_loop3A_97 = arith.addf %parallel_loop3A_91, %parallel_loop3A_96 : vector<16xf32>
        %parallel_loop3A_98 = arith.constant 4 : i32
        %parallel_loop3A_99 = arith.index_cast %parallel_loop3A_98 : i32 to index
        %parallel_loop3A_100 = arith.index_cast %parallel_loop3A_75 : i32 to index
        %parallel_loop3A_101 = tpu.vector_load %arg4[%parallel_loop3A_99, %parallel_loop3A_100] {strides = array<i32>} : memref<8x4096xf32, #tpu.memory_space<vmem>>, vector<1x16xf32>,
        %parallel_loop3A_102 = vector.shape_cast %parallel_loop3A_101 : vector<1x16xf32> to vector<16xf32>
        %parallel_loop3A_103 = arith.constant 5 : i32
        %parallel_loop3A_104 = arith.index_cast %parallel_loop3A_103 : i32 to index
        %parallel_loop3A_105 = arith.index_cast %parallel_loop3A_75 : i32 to index
        %parallel_loop3A_106 = tpu.vector_load %arg4[%parallel_loop3A_104, %parallel_loop3A_105] {strides = array<i32>} : memref<8x4096xf32, #tpu.memory_space<vmem>>, vector<1x16xf32>,
        %parallel_loop3A_107 = vector.shape_cast %parallel_loop3A_106 : vector<1x16xf32> to vector<16xf32>
        %parallel_loop3A_108 = arith.addf %parallel_loop3A_102, %parallel_loop3A_107 : vector<16xf32>
        %parallel_loop3A_109 = arith.constant 6 : i32
        %parallel_loop3A_110 = arith.index_cast %parallel_loop3A_109 : i32 to index
        %parallel_loop3A_111 = arith.index_cast %parallel_loop3A_75 : i32 to index
        %parallel_loop3A_112 = tpu.vector_load %arg4[%parallel_loop3A_110, %parallel_loop3A_111] {strides = array<i32>} : memref<8x4096xf32, #tpu.memory_space<vmem>>, vector<1x16xf32>,
        %parallel_loop3A_113 = vector.shape_cast %parallel_loop3A_112 : vector<1x16xf32> to vector<16xf32>
        %parallel_loop3A_114 = arith.constant 7 : i32
        %parallel_loop3A_115 = arith.index_cast %parallel_loop3A_114 : i32 to index
        %parallel_loop3A_116 = arith.index_cast %parallel_loop3A_75 : i32 to index
        %parallel_loop3A_117 = tpu.vector_load %arg4[%parallel_loop3A_115, %parallel_loop3A_116] {strides = array<i32>} : memref<8x4096xf32, #tpu.memory_space<vmem>>, vector<1x16xf32>,
        %parallel_loop3A_118 = vector.shape_cast %parallel_loop3A_117 : vector<1x16xf32> to vector<16xf32>
        %parallel_loop3A_119 = arith.addf %parallel_loop3A_113, %parallel_loop3A_118 : vector<16xf32>
        %parallel_loop3A_120 = arith.constant 0 : i32
        %parallel_loop3A_121 = arith.index_cast %parallel_loop3A_120 : i32 to index
        %parallel_loop3A_122 = arith.index_cast %parallel_loop3A_75 : i32 to index
        %parallel_loop3A_123 = tpu.vector_load %arg7[%parallel_loop3A_121, %parallel_loop3A_122] {strides = array<i32>} : memref<1x4096xf32, #tpu.memory_space<vmem>>, vector<1x16xf32>,
        %parallel_loop3A_124 = vector.shape_cast %parallel_loop3A_123 : vector<1x16xf32> to vector<16xf32>
        %parallel_loop3A_125 = arith.addf %parallel_loop3A_86, %parallel_loop3A_97 : vector<16xf32>
        %parallel_loop3A_126 = arith.addf %parallel_loop3A_108, %parallel_loop3A_119 : vector<16xf32>
        %parallel_loop3A_127 = arith.addf %parallel_loop3A_125, %parallel_loop3A_126 : vector<16xf32>
        %parallel_loop3A_128 = arith.addf %parallel_loop3A_124, %parallel_loop3A_127 : vector<16xf32>
        %parallel_loop3A_129 = arith.constant 0 : i32
        %parallel_loop3A_130 = arith.index_cast %parallel_loop3A_129 : i32 to index
        %parallel_loop3A_131 = arith.index_cast %parallel_loop3A_75 : i32 to index
        %parallel_loop3A_132 = tpu.vector_load %arg7[%parallel_loop3A_130, %parallel_loop3A_131] {strides = array<i32>} : memref<1x4096xf32, #tpu.memory_space<vmem>>, vector<1x16xf32>,
        %parallel_loop3A_133 = vector.shape_cast %parallel_loop3A_132 : vector<1x16xf32> to vector<16xf32>
        %parallel_loop3A_134 = vector.shape_cast %parallel_loop3A_128 : vector<16xf32> to vector<1x16xf32>
        tpu.vector_store %arg7[%parallel_loop3A_130, %parallel_loop3A_131], %parallel_loop3A_134 {strides = array<i32>} : memref<1x4096xf32, #tpu.memory_space<vmem>>, vector<1x16xf32>,
      } {sc.loop_unroll_factor = 4 : i64, sc.parallel_access}
      %lt3A = arith.constant 1 : i32
      %lt3A_39 = arith.cmpi slt, %scan3A_29, %lt3A : i32
      %convert_element_type3A = arith.extui %lt3A_39 : i1 to i32
      %cond3A = arith.constant 0 : i32
      %cond3A_40 = arith.cmpi ne, %convert_element_type3A, %cond3A : i32
      scf.if %cond3A_40 {
        %add3A_73 = arith.constant 3 : i32
        %add3A_74 = arith.addi %add3A_33, %add3A_73 : i32
        %mul3A_75 = arith.constant 8 : i32
        %mul3A_76 = arith.muli %add3A_74, %mul3A_75 : i32
        %add3A_77 = arith.addi %mul3A_2, %mul3A_76 : i32
        %dma_start3A_78 = arith.constant 0 : i32
        %dma_start3A_79 = tpu.memref_slice %arg2[%add3A_77, %dma_start3A_78] : memref<16384x4096xf32, #tpu.memory_space<hbm>> -> memref<8x4096xf32, #tpu.memory_space<hbm>>
        %dma_start3A_80 = arith.constant 0 : i32
        %dma_start3A_81 = tpu.memref_slice %arg2[%add3A_77, %dma_start3A_80] : memref<16384x4096xf32, #tpu.memory_space<hbm>> -> memref<8x4096xf32, #tpu.memory_space<hbm>>
        tpu.enqueue_dma source(%dma_start3A_81 : memref<8x4096xf32, #tpu.memory_space<hbm>>) target(%arg4 : memref<8x4096xf32, #tpu.memory_space<vmem>>) target_semaphore(%arg8 : memref<!tpu.dma_semaphore, #tpu.memory_space<semaphore_mem>>)
      } else {
      }
      %mul3A_41 = arith.constant 3 : i32
      %mul3A_42 = arith.muli %scan3A_29, %mul3A_41 : i32
      %add3A_43 = arith.constant 1 : i32
      %add3A_44 = arith.addi %mul3A_42, %add3A_43 : i32
      %dma_wait3A_45 = arith.constant 0 : i32
      %dma_wait3A_46 = tpu.memref_slice %arg2[%mul3A_2, %dma_wait3A_45] : memref<16384x4096xf32, #tpu.memory_space<hbm>> -> memref<8x4096xf32, #tpu.memory_space<hbm>>
      %dma_wait3A_47 = arith.constant 0 : i32
      %dma_wait3A_48 = tpu.memref_slice %arg2[%mul3A_2, %dma_wait3A_47] : memref<16384x4096xf32, #tpu.memory_space<hbm>> -> memref<8x4096xf32, #tpu.memory_space<hbm>>
      tpu.wait_dma2 semaphore(%arg9 : memref<!tpu.dma_semaphore, #tpu.memory_space<semaphore_mem>>) src(%dma_wait3A_48 : memref<8x4096xf32, #tpu.memory_space<hbm>>) dst(%arg5 : memref<8x4096xf32, #tpu.memory_space<vmem>>)
      %parallel_loop3A_49 = arith.constant 0 : i32
      %parallel_loop3A_50 = arith.constant 256 : i32
      %parallel_loop3A_51 = arith.constant 1 : i32
      scf.for %parallel_loop3A_73 = %parallel_loop3A_49 to %parallel_loop3A_50 step %parallel_loop3A_51  : i32 {
        %parallel_loop3A_74 = arith.constant 16 : i32
        %parallel_loop3A_75 = arith.muli %parallel_loop3A_73, %parallel_loop3A_74 : i32
        %parallel_loop3A_76 = arith.constant 0 : i32
        %parallel_loop3A_77 = arith.index_cast %parallel_loop3A_76 : i32 to index
        %parallel_loop3A_78 = arith.index_cast %parallel_loop3A_75 : i32 to index
        %parallel_loop3A_79 = tpu.vector_load %arg5[%parallel_loop3A_77, %parallel_loop3A_78] {strides = array<i32>} : memref<8x4096xf32, #tpu.memory_space<vmem>>, vector<1x16xf32>,
        %parallel_loop3A_80 = vector.shape_cast %parallel_loop3A_79 : vector<1x16xf32> to vector<16xf32>
        %parallel_loop3A_81 = arith.constant 1 : i32
        %parallel_loop3A_82 = arith.index_cast %parallel_loop3A_81 : i32 to index
        %parallel_loop3A_83 = arith.index_cast %parallel_loop3A_75 : i32 to index
        %parallel_loop3A_84 = tpu.vector_load %arg5[%parallel_loop3A_82, %parallel_loop3A_83] {strides = array<i32>} : memref<8x4096xf32, #tpu.memory_space<vmem>>, vector<1x16xf32>,
        %parallel_loop3A_85 = vector.shape_cast %parallel_loop3A_84 : vector<1x16xf32> to vector<16xf32>
        %parallel_loop3A_86 = arith.addf %parallel_loop3A_80, %parallel_loop3A_85 : vector<16xf32>
        %parallel_loop3A_87 = arith.constant 2 : i32
        %parallel_loop3A_88 = arith.index_cast %parallel_loop3A_87 : i32 to index
        %parallel_loop3A_89 = arith.index_cast %parallel_loop3A_75 : i32 to index
        %parallel_loop3A_90 = tpu.vector_load %arg5[%parallel_loop3A_88, %parallel_loop3A_89] {strides = array<i32>} : memref<8x4096xf32, #tpu.memory_space<vmem>>, vector<1x16xf32>,
        %parallel_loop3A_91 = vector.shape_cast %parallel_loop3A_90 : vector<1x16xf32> to vector<16xf32>
        %parallel_loop3A_92 = arith.constant 3 : i32
        %parallel_loop3A_93 = arith.index_cast %parallel_loop3A_92 : i32 to index
        %parallel_loop3A_94 = arith.index_cast %parallel_loop3A_75 : i32 to index
        %parallel_loop3A_95 = tpu.vector_load %arg5[%parallel_loop3A_93, %parallel_loop3A_94] {strides = array<i32>} : memref<8x4096xf32, #tpu.memory_space<vmem>>, vector<1x16xf32>,
        %parallel_loop3A_96 = vector.shape_cast %parallel_loop3A_95 : vector<1x16xf32> to vector<16xf32>
        %parallel_loop3A_97 = arith.addf %parallel_loop3A_91, %parallel_loop3A_96 : vector<16xf32>
        %parallel_loop3A_98 = arith.constant 4 : i32
        %parallel_loop3A_99 = arith.index_cast %parallel_loop3A_98 : i32 to index
        %parallel_loop3A_100 = arith.index_cast %parallel_loop3A_75 : i32 to index
        %parallel_loop3A_101 = tpu.vector_load %arg5[%parallel_loop3A_99, %parallel_loop3A_100] {strides = array<i32>} : memref<8x4096xf32, #tpu.memory_space<vmem>>, vector<1x16xf32>,
        %parallel_loop3A_102 = vector.shape_cast %parallel_loop3A_101 : vector<1x16xf32> to vector<16xf32>
        %parallel_loop3A_103 = arith.constant 5 : i32
        %parallel_loop3A_104 = arith.index_cast %parallel_loop3A_103 : i32 to index
        %parallel_loop3A_105 = arith.index_cast %parallel_loop3A_75 : i32 to index
        %parallel_loop3A_106 = tpu.vector_load %arg5[%parallel_loop3A_104, %parallel_loop3A_105] {strides = array<i32>} : memref<8x4096xf32, #tpu.memory_space<vmem>>, vector<1x16xf32>,
        %parallel_loop3A_107 = vector.shape_cast %parallel_loop3A_106 : vector<1x16xf32> to vector<16xf32>
        %parallel_loop3A_108 = arith.addf %parallel_loop3A_102, %parallel_loop3A_107 : vector<16xf32>
        %parallel_loop3A_109 = arith.constant 6 : i32
        %parallel_loop3A_110 = arith.index_cast %parallel_loop3A_109 : i32 to index
        %parallel_loop3A_111 = arith.index_cast %parallel_loop3A_75 : i32 to index
        %parallel_loop3A_112 = tpu.vector_load %arg5[%parallel_loop3A_110, %parallel_loop3A_111] {strides = array<i32>} : memref<8x4096xf32, #tpu.memory_space<vmem>>, vector<1x16xf32>,
        %parallel_loop3A_113 = vector.shape_cast %parallel_loop3A_112 : vector<1x16xf32> to vector<16xf32>
        %parallel_loop3A_114 = arith.constant 7 : i32
        %parallel_loop3A_115 = arith.index_cast %parallel_loop3A_114 : i32 to index
        %parallel_loop3A_116 = arith.index_cast %parallel_loop3A_75 : i32 to index
        %parallel_loop3A_117 = tpu.vector_load %arg5[%parallel_loop3A_115, %parallel_loop3A_116] {strides = array<i32>} : memref<8x4096xf32, #tpu.memory_space<vmem>>, vector<1x16xf32>,
        %parallel_loop3A_118 = vector.shape_cast %parallel_loop3A_117 : vector<1x16xf32> to vector<16xf32>
        %parallel_loop3A_119 = arith.addf %parallel_loop3A_113, %parallel_loop3A_118 : vector<16xf32>
        %parallel_loop3A_120 = arith.constant 0 : i32
        %parallel_loop3A_121 = arith.index_cast %parallel_loop3A_120 : i32 to index
        %parallel_loop3A_122 = arith.index_cast %parallel_loop3A_75 : i32 to index
        %parallel_loop3A_123 = tpu.vector_load %arg7[%parallel_loop3A_121, %parallel_loop3A_122] {strides = array<i32>} : memref<1x4096xf32, #tpu.memory_space<vmem>>, vector<1x16xf32>,
        %parallel_loop3A_124 = vector.shape_cast %parallel_loop3A_123 : vector<1x16xf32> to vector<16xf32>
        %parallel_loop3A_125 = arith.addf %parallel_loop3A_86, %parallel_loop3A_97 : vector<16xf32>
        %parallel_loop3A_126 = arith.addf %parallel_loop3A_108, %parallel_loop3A_119 : vector<16xf32>
        %parallel_loop3A_127 = arith.addf %parallel_loop3A_125, %parallel_loop3A_126 : vector<16xf32>
        %parallel_loop3A_128 = arith.addf %parallel_loop3A_124, %parallel_loop3A_127 : vector<16xf32>
        %parallel_loop3A_129 = arith.constant 0 : i32
        %parallel_loop3A_130 = arith.index_cast %parallel_loop3A_129 : i32 to index
        %parallel_loop3A_131 = arith.index_cast %parallel_loop3A_75 : i32 to index
        %parallel_loop3A_132 = tpu.vector_load %arg7[%parallel_loop3A_130, %parallel_loop3A_131] {strides = array<i32>} : memref<1x4096xf32, #tpu.memory_space<vmem>>, vector<1x16xf32>,
        %parallel_loop3A_133 = vector.shape_cast %parallel_loop3A_132 : vector<1x16xf32> to vector<16xf32>
        %parallel_loop3A_134 = vector.shape_cast %parallel_loop3A_128 : vector<16xf32> to vector<1x16xf32>
        tpu.vector_store %arg7[%parallel_loop3A_130, %parallel_loop3A_131], %parallel_loop3A_134 {strides = array<i32>} : memref<1x4096xf32, #tpu.memory_space<vmem>>, vector<1x16xf32>,
      } {sc.loop_unroll_factor = 4 : i64, sc.parallel_access}
      %lt3A_52 = arith.constant 1 : i32
      %lt3A_53 = arith.cmpi slt, %scan3A_29, %lt3A_52 : i32
      %convert_element_type3A_54 = arith.extui %lt3A_53 : i1 to i32
      %cond3A_55 = arith.constant 0 : i32
      %cond3A_56 = arith.cmpi ne, %convert_element_type3A_54, %cond3A_55 : i32
      scf.if %cond3A_56 {
        %add3A_73 = arith.constant 3 : i32
        %add3A_74 = arith.addi %add3A_44, %add3A_73 : i32
        %mul3A_75 = arith.constant 8 : i32
        %mul3A_76 = arith.muli %add3A_74, %mul3A_75 : i32
        %add3A_77 = arith.addi %mul3A_2, %mul3A_76 : i32
        %dma_start3A_78 = arith.constant 0 : i32
        %dma_start3A_79 = tpu.memref_slice %arg2[%add3A_77, %dma_start3A_78] : memref<16384x4096xf32, #tpu.memory_space<hbm>> -> memref<8x4096xf32, #tpu.memory_space<hbm>>
        %dma_start3A_80 = arith.constant 0 : i32
        %dma_start3A_81 = tpu.memref_slice %arg2[%add3A_77, %dma_start3A_80] : memref<16384x4096xf32, #tpu.memory_space<hbm>> -> memref<8x4096xf32, #tpu.memory_space<hbm>>
        tpu.enqueue_dma source(%dma_start3A_81 : memref<8x4096xf32, #tpu.memory_space<hbm>>) target(%arg5 : memref<8x4096xf32, #tpu.memory_space<vmem>>) target_semaphore(%arg9 : memref<!tpu.dma_semaphore, #tpu.memory_space<semaphore_mem>>)
      } else {
      }
      %mul3A_57 = arith.constant 3 : i32
      %mul3A_58 = arith.muli %scan3A_29, %mul3A_57 : i32
      %add3A_59 = arith.constant 2 : i32
      %add3A_60 = arith.addi %mul3A_58, %add3A_59 : i32
      %dma_wait3A_61 = arith.constant 0 : i32
      %dma_wait3A_62 = tpu.memref_slice %arg2[%mul3A_2, %dma_wait3A_61] : memref<16384x4096xf32, #tpu.memory_space<hbm>> -> memref<8x4096xf32, #tpu.memory_space<hbm>>
      %dma_wait3A_63 = arith.constant 0 : i32
      %dma_wait3A_64 = tpu.memref_slice %arg2[%mul3A_2, %dma_wait3A_63] : memref<16384x4096xf32, #tpu.memory_space<hbm>> -> memref<8x4096xf32, #tpu.memory_space<hbm>>
      tpu.wait_dma2 semaphore(%arg10 : memref<!tpu.dma_semaphore, #tpu.memory_space<semaphore_mem>>) src(%dma_wait3A_64 : memref<8x4096xf32, #tpu.memory_space<hbm>>) dst(%arg6 : memref<8x4096xf32, #tpu.memory_space<vmem>>)
      %parallel_loop3A_65 = arith.constant 0 : i32
      %parallel_loop3A_66 = arith.constant 256 : i32
      %parallel_loop3A_67 = arith.constant 1 : i32
      scf.for %parallel_loop3A_73 = %parallel_loop3A_65 to %parallel_loop3A_66 step %parallel_loop3A_67  : i32 {
        %parallel_loop3A_74 = arith.constant 16 : i32
        %parallel_loop3A_75 = arith.muli %parallel_loop3A_73, %parallel_loop3A_74 : i32
        %parallel_loop3A_76 = arith.constant 0 : i32
        %parallel_loop3A_77 = arith.index_cast %parallel_loop3A_76 : i32 to index
        %parallel_loop3A_78 = arith.index_cast %parallel_loop3A_75 : i32 to index
        %parallel_loop3A_79 = tpu.vector_load %arg6[%parallel_loop3A_77, %parallel_loop3A_78] {strides = array<i32>} : memref<8x4096xf32, #tpu.memory_space<vmem>>, vector<1x16xf32>,
        %parallel_loop3A_80 = vector.shape_cast %parallel_loop3A_79 : vector<1x16xf32> to vector<16xf32>
        %parallel_loop3A_81 = arith.constant 1 : i32
        %parallel_loop3A_82 = arith.index_cast %parallel_loop3A_81 : i32 to index
        %parallel_loop3A_83 = arith.index_cast %parallel_loop3A_75 : i32 to index
        %parallel_loop3A_84 = tpu.vector_load %arg6[%parallel_loop3A_82, %parallel_loop3A_83] {strides = array<i32>} : memref<8x4096xf32, #tpu.memory_space<vmem>>, vector<1x16xf32>,
        %parallel_loop3A_85 = vector.shape_cast %parallel_loop3A_84 : vector<1x16xf32> to vector<16xf32>
        %parallel_loop3A_86 = arith.addf %parallel_loop3A_80, %parallel_loop3A_85 : vector<16xf32>
        %parallel_loop3A_87 = arith.constant 2 : i32
        %parallel_loop3A_88 = arith.index_cast %parallel_loop3A_87 : i32 to index
        %parallel_loop3A_89 = arith.index_cast %parallel_loop3A_75 : i32 to index
        %parallel_loop3A_90 = tpu.vector_load %arg6[%parallel_loop3A_88, %parallel_loop3A_89] {strides = array<i32>} : memref<8x4096xf32, #tpu.memory_space<vmem>>, vector<1x16xf32>,
        %parallel_loop3A_91 = vector.shape_cast %parallel_loop3A_90 : vector<1x16xf32> to vector<16xf32>
        %parallel_loop3A_92 = arith.constant 3 : i32
        %parallel_loop3A_93 = arith.index_cast %parallel_loop3A_92 : i32 to index
        %parallel_loop3A_94 = arith.index_cast %parallel_loop3A_75 : i32 to index
        %parallel_loop3A_95 = tpu.vector_load %arg6[%parallel_loop3A_93, %parallel_loop3A_94] {strides = array<i32>} : memref<8x4096xf32, #tpu.memory_space<vmem>>, vector<1x16xf32>,
        %parallel_loop3A_96 = vector.shape_cast %parallel_loop3A_95 : vector<1x16xf32> to vector<16xf32>
        %parallel_loop3A_97 = arith.addf %parallel_loop3A_91, %parallel_loop3A_96 : vector<16xf32>
        %parallel_loop3A_98 = arith.constant 4 : i32
        %parallel_loop3A_99 = arith.index_cast %parallel_loop3A_98 : i32 to index
        %parallel_loop3A_100 = arith.index_cast %parallel_loop3A_75 : i32 to index
        %parallel_loop3A_101 = tpu.vector_load %arg6[%parallel_loop3A_99, %parallel_loop3A_100] {strides = array<i32>} : memref<8x4096xf32, #tpu.memory_space<vmem>>, vector<1x16xf32>,
        %parallel_loop3A_102 = vector.shape_cast %parallel_loop3A_101 : vector<1x16xf32> to vector<16xf32>
        %parallel_loop3A_103 = arith.constant 5 : i32
        %parallel_loop3A_104 = arith.index_cast %parallel_loop3A_103 : i32 to index
        %parallel_loop3A_105 = arith.index_cast %parallel_loop3A_75 : i32 to index
        %parallel_loop3A_106 = tpu.vector_load %arg6[%parallel_loop3A_104, %parallel_loop3A_105] {strides = array<i32>} : memref<8x4096xf32, #tpu.memory_space<vmem>>, vector<1x16xf32>,
        %parallel_loop3A_107 = vector.shape_cast %parallel_loop3A_106 : vector<1x16xf32> to vector<16xf32>
        %parallel_loop3A_108 = arith.addf %parallel_loop3A_102, %parallel_loop3A_107 : vector<16xf32>
        %parallel_loop3A_109 = arith.constant 6 : i32
        %parallel_loop3A_110 = arith.index_cast %parallel_loop3A_109 : i32 to index
        %parallel_loop3A_111 = arith.index_cast %parallel_loop3A_75 : i32 to index
        %parallel_loop3A_112 = tpu.vector_load %arg6[%parallel_loop3A_110, %parallel_loop3A_111] {strides = array<i32>} : memref<8x4096xf32, #tpu.memory_space<vmem>>, vector<1x16xf32>,
        %parallel_loop3A_113 = vector.shape_cast %parallel_loop3A_112 : vector<1x16xf32> to vector<16xf32>
        %parallel_loop3A_114 = arith.constant 7 : i32
        %parallel_loop3A_115 = arith.index_cast %parallel_loop3A_114 : i32 to index
        %parallel_loop3A_116 = arith.index_cast %parallel_loop3A_75 : i32 to index
        %parallel_loop3A_117 = tpu.vector_load %arg6[%parallel_loop3A_115, %parallel_loop3A_116] {strides = array<i32>} : memref<8x4096xf32, #tpu.memory_space<vmem>>, vector<1x16xf32>,
        %parallel_loop3A_118 = vector.shape_cast %parallel_loop3A_117 : vector<1x16xf32> to vector<16xf32>
        %parallel_loop3A_119 = arith.addf %parallel_loop3A_113, %parallel_loop3A_118 : vector<16xf32>
        %parallel_loop3A_120 = arith.constant 0 : i32
        %parallel_loop3A_121 = arith.index_cast %parallel_loop3A_120 : i32 to index
        %parallel_loop3A_122 = arith.index_cast %parallel_loop3A_75 : i32 to index
        %parallel_loop3A_123 = tpu.vector_load %arg7[%parallel_loop3A_121, %parallel_loop3A_122] {strides = array<i32>} : memref<1x4096xf32, #tpu.memory_space<vmem>>, vector<1x16xf32>,
        %parallel_loop3A_124 = vector.shape_cast %parallel_loop3A_123 : vector<1x16xf32> to vector<16xf32>
        %parallel_loop3A_125 = arith.addf %parallel_loop3A_86, %parallel_loop3A_97 : vector<16xf32>
        %parallel_loop3A_126 = arith.addf %parallel_loop3A_108, %parallel_loop3A_119 : vector<16xf32>
        %parallel_loop3A_127 = arith.addf %parallel_loop3A_125, %parallel_loop3A_126 : vector<16xf32>
        %parallel_loop3A_128 = arith.addf %parallel_loop3A_124, %parallel_loop3A_127 : vector<16xf32>
        %parallel_loop3A_129 = arith.constant 0 : i32
        %parallel_loop3A_130 = arith.index_cast %parallel_loop3A_129 : i32 to index
        %parallel_loop3A_131 = arith.index_cast %parallel_loop3A_75 : i32 to index
        %parallel_loop3A_132 = tpu.vector_load %arg7[%parallel_loop3A_130, %parallel_loop3A_131] {strides = array<i32>} : memref<1x4096xf32, #tpu.memory_space<vmem>>, vector<1x16xf32>,
        %parallel_loop3A_133 = vector.shape_cast %parallel_loop3A_132 : vector<1x16xf32> to vector<16xf32>
        %parallel_loop3A_134 = vector.shape_cast %parallel_loop3A_128 : vector<16xf32> to vector<1x16xf32>
        tpu.vector_store %arg7[%parallel_loop3A_130, %parallel_loop3A_131], %parallel_loop3A_134 {strides = array<i32>} : memref<1x4096xf32, #tpu.memory_space<vmem>>, vector<1x16xf32>,
      } {sc.loop_unroll_factor = 4 : i64, sc.parallel_access}
      %lt3A_68 = arith.constant 1 : i32
      %lt3A_69 = arith.cmpi slt, %scan3A_29, %lt3A_68 : i32
      %convert_element_type3A_70 = arith.extui %lt3A_69 : i1 to i32
      %cond3A_71 = arith.constant 0 : i32
      %cond3A_72 = arith.cmpi ne, %convert_element_type3A_70, %cond3A_71 : i32
      scf.if %cond3A_72 {
        %add3A_73 = arith.constant 3 : i32
        %add3A_74 = arith.addi %add3A_60, %add3A_73 : i32
        %mul3A_75 = arith.constant 8 : i32
        %mul3A_76 = arith.muli %add3A_74, %mul3A_75 : i32
        %add3A_77 = arith.addi %mul3A_2, %mul3A_76 : i32
        %dma_start3A_78 = arith.constant 0 : i32
        %dma_start3A_79 = tpu.memref_slice %arg2[%add3A_77, %dma_start3A_78] : memref<16384x4096xf32, #tpu.memory_space<hbm>> -> memref<8x4096xf32, #tpu.memory_space<hbm>>
        %dma_start3A_80 = arith.constant 0 : i32
        %dma_start3A_81 = tpu.memref_slice %arg2[%add3A_77, %dma_start3A_80] : memref<16384x4096xf32, #tpu.memory_space<hbm>> -> memref<8x4096xf32, #tpu.memory_space<hbm>>
        tpu.enqueue_dma source(%dma_start3A_81 : memref<8x4096xf32, #tpu.memory_space<hbm>>) target(%arg6 : memref<8x4096xf32, #tpu.memory_space<vmem>>) target_semaphore(%arg10 : memref<!tpu.dma_semaphore, #tpu.memory_space<semaphore_mem>>)
      } else {
      }
    }
    %scan3A_28 = arith.constant 2 : i32
    "tpu.region"() ({
      %run_scoped3A = tpu.sem_alloc : memref<!tpu.dma_semaphore, #tpu.memory_space<semaphore_mem>>
      %dma_start3A_29 = arith.constant 0 : i32
      %dma_start3A_30 = tpu.memref_slice %arg3[%add3A, %dma_start3A_29] : memref<32x4096xf32, #tpu.memory_space<hbm>> -> memref<1x4096xf32, #tpu.memory_space<hbm>>
      %dma_start3A_31 = arith.constant 0 : i32
      %dma_start3A_32 = tpu.memref_slice %arg3[%add3A, %dma_start3A_31] : memref<32x4096xf32, #tpu.memory_space<hbm>> -> memref<1x4096xf32, #tpu.memory_space<hbm>>
      tpu.enqueue_dma source(%arg7 : memref<1x4096xf32, #tpu.memory_space<vmem>>) target(%dma_start3A_32 : memref<1x4096xf32, #tpu.memory_space<hbm>>) target_semaphore(%run_scoped3A : memref<!tpu.dma_semaphore, #tpu.memory_space<semaphore_mem>>)
      %dma_wait3A = arith.constant 0 : i32
      %dma_wait3A_33 = tpu.memref_slice %arg3[%add3A, %dma_wait3A] : memref<32x4096xf32, #tpu.memory_space<hbm>> -> memref<1x4096xf32, #tpu.memory_space<hbm>>
      %dma_wait3A_34 = arith.constant 0 : i32
      %dma_wait3A_35 = tpu.memref_slice %arg3[%add3A, %dma_wait3A_34] : memref<32x4096xf32, #tpu.memory_space<hbm>> -> memref<1x4096xf32, #tpu.memory_space<hbm>>
      tpu.wait_dma2 semaphore(%run_scoped3A : memref<!tpu.dma_semaphore, #tpu.memory_space<semaphore_mem>>) src(%arg7 : memref<1x4096xf32, #tpu.memory_space<vmem>>) dst(%dma_wait3A_35 : memref<1x4096xf32, #tpu.memory_space<hbm>>)
      tpu.yield
    }) : () -> ()
    return
  }
}

module attributes {stable_mosaic.version = 14 : i64} {
  func.func @_combine_body(%arg0: i32, %arg1: memref<1xi32, #tpu.memory_space<smem>>, %arg2: memref<32x4096xf32, #tpu.memory_space<vmem>>, %arg3: memref<8x4096xf32, #tpu.memory_space<vmem>>, %arg4: memref<12x4096xf32, #tpu.memory_space<vmem>>, %arg5: memref<12x4096xf32, #tpu.memory_space<vmem>>) attributes {dimension_semantics = [#tpu.dimension_semantics<arbitrary>], iteration_bounds = array<i64: 1>, scalar_prefetch = 1 : i64, scratch_operands = 0 : i64, tpu.core_type = #tpu.core_type<tc>, window_params = [{pipeline_mode = #tpu.pipeline_mode<synchronous>, transform_indices = @transform_0, window_bounds = array<i64: 32, 4096>}, {pipeline_mode = #tpu.pipeline_mode<synchronous>, transform_indices = @transform_1, window_bounds = array<i64: 8, 4096>}, {pipeline_mode = #tpu.pipeline_mode<synchronous>, transform_indices = @transform_2, window_bounds = array<i64: 12, 4096>}, {pipeline_mode = #tpu.pipeline_mode<synchronous>, transform_indices = @transform_3, window_bounds = array<i64: 12, 4096>}]} {
    %get3A = arith.constant 0 : index
    %get3A_0 = arith.constant 0 : index
    %get3A_1 = vector.load %arg4[%get3A, %get3A_0] : memref<12x4096xf32, #tpu.memory_space<vmem>>, vector<12x4096xf32>
    %swap3A = arith.constant 0 : index
    %swap3A_2 = arith.constant 0 : index
    %swap3A_3 = vector.load %arg5[%swap3A, %swap3A_2] : memref<12x4096xf32, #tpu.memory_space<vmem>>, vector<12x4096xf32>
    tpu.vector_store %arg5[%swap3A, %swap3A_2], %get3A_1 {strides = array<i32>} : memref<12x4096xf32, #tpu.memory_space<vmem>>, vector<12x4096xf32>,
    %get3A_4 = arith.constant 0 : index
    %get3A_5 = arith.constant 0 : index
    %get3A_6 = vector.load %arg2[%get3A_4, %get3A_5] : memref<32x4096xf32, #tpu.memory_space<vmem>>, vector<32x4096xf32>
    %reduce_sum3A = arith.constant dense<0.000000e+00> : vector<4096xf32>
    %reduce_sum3A_7 = vector.multi_reduction <add>, %get3A_6, %reduce_sum3A [0] : vector<32x4096xf32> to vector<4096xf32>
    %broadcast_in_dim3A = vector.shape_cast %reduce_sum3A_7 : vector<4096xf32> to vector<1x4096xf32>
    %get3A_8 = arith.constant 0 : index
    %get3A_9 = arith.constant 0 : index
    %get3A_10 = vector.load %arg3[%get3A_8, %get3A_9] : memref<8x4096xf32, #tpu.memory_space<vmem>>, vector<8x4096xf32>
    %reduce_sum3A_11 = arith.constant dense<0.000000e+00> : vector<4096xf32>
    %reduce_sum3A_12 = vector.multi_reduction <add>, %get3A_10, %reduce_sum3A_11 [0] : vector<8x4096xf32> to vector<4096xf32>
    %broadcast_in_dim3A_13 = vector.shape_cast %reduce_sum3A_12 : vector<4096xf32> to vector<1x4096xf32>
    %add3A = arith.addf %broadcast_in_dim3A, %broadcast_in_dim3A_13 : vector<1x4096xf32>
    %mul3A = arith.constant 6.10351563E-5 : f32
    %mul3A_14 = vector.broadcast %mul3A : f32 to vector<1x4096xf32>
    %mul3A_15 = arith.mulf %add3A, %mul3A_14 : vector<1x4096xf32>
    %get3A_16 = arith.constant 0 : index
    %get3A_17 = memref.load %arg1[%get3A_16] : memref<1xi32, #tpu.memory_space<smem>>
    %get3A_18 = arith.index_cast %get3A_17 : i32 to index
    %get3A_19 = arith.constant 0 : index
    %get3A_20 = vector.load %arg4[%get3A_18, %get3A_19] : memref<12x4096xf32, #tpu.memory_space<vmem>>, vector<1x4096xf32>
    %mul3A_21 = arith.constant 0.949999988 : f32
    %mul3A_22 = vector.broadcast %mul3A_21 : f32 to vector<1x4096xf32>
    %mul3A_23 = arith.mulf %mul3A_22, %get3A_20 : vector<1x4096xf32>
    %mul3A_24 = arith.constant 5.000000e-02 : f32
    %mul3A_25 = vector.broadcast %mul3A_24 : f32 to vector<1x4096xf32>
    %mul3A_26 = arith.mulf %mul3A_25, %mul3A_15 : vector<1x4096xf32>
    %add3A_27 = arith.addf %mul3A_23, %mul3A_26 : vector<1x4096xf32>
    %swap3A_28 = arith.index_cast %get3A_17 : i32 to index
    %swap3A_29 = arith.constant 0 : index
    %swap3A_30 = vector.load %arg5[%swap3A_28, %swap3A_29] : memref<12x4096xf32, #tpu.memory_space<vmem>>, vector<1x4096xf32>
    tpu.vector_store %arg5[%swap3A_28, %swap3A_29], %add3A_27 {strides = array<i32>} : memref<12x4096xf32, #tpu.memory_space<vmem>>, vector<1x4096xf32>,
    return
  }
  func.func @transform_0(%arg0: i32, %arg1: memref<1xi32, #tpu.memory_space<smem>>) -> (i32, i32) {
    %c0_i32 = arith.constant 0 : i32
    %c0_i32_0 = arith.constant 0 : i32
    %c0_i32_1 = arith.constant 0 : i32
    return %c0_i32, %c0_i32_0 : i32, i32
  }
  func.func @transform_1(%arg0: i32, %arg1: memref<1xi32, #tpu.memory_space<smem>>) -> (i32, i32) {
    %c0_i32 = arith.constant 0 : i32
    %c0_i32_0 = arith.constant 0 : i32
    %c0_i32_1 = arith.constant 0 : i32
    return %c0_i32, %c0_i32_0 : i32, i32
  }
  func.func @transform_2(%arg0: i32, %arg1: memref<1xi32, #tpu.memory_space<smem>>) -> (i32, i32) {
    %c0_i32 = arith.constant 0 : i32
    %c0_i32_0 = arith.constant 0 : i32
    %c0_i32_1 = arith.constant 0 : i32
    return %c0_i32, %c0_i32_0 : i32, i32
  }
  func.func @transform_3(%arg0: i32, %arg1: memref<1xi32, #tpu.memory_space<smem>>) -> (i32, i32) {
    %c0_i32 = arith.constant 0 : i32
    %c0_i32_0 = arith.constant 0 : i32
    %c0_i32_1 = arith.constant 0 : i32
    return %c0_i32, %c0_i32_0 : i32, i32
  }
}

module attributes {stable_mosaic.version = 14 : i64} {
  func.func @_tc_reduce_body(%arg0: i32, %arg1: memref<512x4096xf32, #tpu.memory_space<vmem>>, %arg2: memref<8x4096xf32, #tpu.memory_space<vmem>>, %arg3: memref<8x4096xf32, #tpu.memory_space<vmem>>) attributes {dimension_semantics = [#tpu.dimension_semantics<arbitrary>], iteration_bounds = array<i64: 29>, scalar_prefetch = 0 : i64, scratch_operands = 1 : i64, tpu.core_type = #tpu.core_type<tc>, window_params = [{transform_indices = @transform_0, window_bounds = array<i64: 512, 4096>}, {pipeline_mode = #tpu.pipeline_mode<synchronous>, transform_indices = @transform_1, window_bounds = array<i64: 8, 4096>}]} {
    %eq3A = arith.constant 0 : i32
    %eq3A_0 = arith.cmpi eq, %arg0, %eq3A : i32
    %convert_element_type3A = arith.extui %eq3A_0 : i1 to i32
    %cond3A = arith.constant 0 : i32
    %cond3A_1 = arith.cmpi ne, %convert_element_type3A, %cond3A : i32
    scf.if %cond3A_1 {
      %broadcast_in_dim3A = arith.constant 0.000000e+00 : f32
      %broadcast_in_dim3A_15 = vector.broadcast %broadcast_in_dim3A : f32 to vector<8x4096xf32>
      %swap3A_16 = arith.constant 0 : index
      %swap3A_17 = arith.constant 0 : index
      %swap3A_18 = vector.load %arg3[%swap3A_16, %swap3A_17] : memref<8x4096xf32, #tpu.memory_space<vmem>>, vector<8x4096xf32>
      tpu.vector_store %arg3[%swap3A_16, %swap3A_17], %broadcast_in_dim3A_15 {strides = array<i32>} : memref<8x4096xf32, #tpu.memory_space<vmem>>, vector<8x4096xf32>,
    } else {
    }
    %get3A = arith.constant 0 : index
    %get3A_2 = arith.constant 0 : index
    %get3A_3 = vector.load %arg3[%get3A, %get3A_2] : memref<8x4096xf32, #tpu.memory_space<vmem>>, vector<8x4096xf32>
    %get3A_4 = arith.constant 0 : index
    %get3A_5 = arith.constant 0 : index
    %get3A_6 = vector.load %arg1[%get3A_4, %get3A_5] : memref<512x4096xf32, #tpu.memory_space<vmem>>, vector<512x4096xf32>
    %reshape3A = vector.shape_cast %get3A_6 : vector<512x4096xf32> to vector<64x8x4096xf32>
    %reduce_sum3A = arith.constant dense<0.000000e+00> : vector<8x4096xf32>
    %reduce_sum3A_7 = vector.multi_reduction <add>, %reshape3A, %reduce_sum3A [0] : vector<64x8x4096xf32> to vector<8x4096xf32>
    %add3A = arith.addf %get3A_3, %reduce_sum3A_7 : vector<8x4096xf32>
    %swap3A = arith.constant 0 : index
    %swap3A_8 = arith.constant 0 : index
    %swap3A_9 = vector.load %arg3[%swap3A, %swap3A_8] : memref<8x4096xf32, #tpu.memory_space<vmem>>, vector<8x4096xf32>
    tpu.vector_store %arg3[%swap3A, %swap3A_8], %add3A {strides = array<i32>} : memref<8x4096xf32, #tpu.memory_space<vmem>>, vector<8x4096xf32>,
    %eq3A_10 = arith.constant 28 : i32
    %eq3A_11 = arith.cmpi eq, %arg0, %eq3A_10 : i32
    %convert_element_type3A_12 = arith.extui %eq3A_11 : i1 to i32
    %cond3A_13 = arith.constant 0 : i32
    %cond3A_14 = arith.cmpi ne, %convert_element_type3A_12, %cond3A_13 : i32
    scf.if %cond3A_14 {
      %get3A_15 = arith.constant 0 : index
      %get3A_16 = arith.constant 0 : index
      %get3A_17 = vector.load %arg3[%get3A_15, %get3A_16] : memref<8x4096xf32, #tpu.memory_space<vmem>>, vector<8x4096xf32>
      %swap3A_18 = arith.constant 0 : index
      %swap3A_19 = arith.constant 0 : index
      %swap3A_20 = vector.load %arg2[%swap3A_18, %swap3A_19] : memref<8x4096xf32, #tpu.memory_space<vmem>>, vector<8x4096xf32>
      tpu.vector_store %arg2[%swap3A_18, %swap3A_19], %get3A_17 {strides = array<i32>} : memref<8x4096xf32, #tpu.memory_space<vmem>>, vector<8x4096xf32>,
    } else {
    }
    return
  }
  func.func @transform_0(%arg0: i32) -> (i32, i32) {
    %add3A = arith.constant 3 : i32
    %add3A_0 = arith.addi %arg0, %add3A : i32
    %c0_i32 = arith.constant 0 : i32
    %c0_i32_1 = arith.constant 0 : i32
    return %add3A_0, %c0_i32 : i32, i32
  }
  func.func @transform_1(%arg0: i32) -> (i32, i32) {
    %c0_i32 = arith.constant 0 : i32
    %c0_i32_0 = arith.constant 0 : i32
    %c0_i32_1 = arith.constant 0 : i32
    return %c0_i32, %c0_i32_0 : i32, i32
  }
}

</mosaic_0001>

<sc_bundles>
// kernel: kernel.5.cloned.1.call-start
scs
__scs_entry_jumppad:
0x0: {  	(pc) =	sbr.rel $0x88, $3  }
0x1: {  	(tag) =	ssettag $0x0;
	lr =	simm.s32 $0x1  }
0x2: {  	[smem:$0x3F9D] =	sst lr;
	_ =	strace $0xD0000000  }
0x3: {  	_ = 	snop  }
0x4: {  	_ = 	snop  }
0x5: {  	_ = 	snop  }
0x6: {  	_ = 	snop  }
0x7: {  	_ = 	snop  }
__scs_overlays_trampoline_lowered:
0x8: {  	[smem:$0x3FAC] =	sst s0  }
0x9: {  	[smem:$0x3FAD] =	sst s1  }
0xa: {  	[smem:$0x3FAE] =	sst s2  }
0xb: {  	[smem:$0x3FAF] =	sst s3  }
0xc: {  	[smem:$0x3FB0] =	sst s4  }
0xd: {  	[smem:$0x3FB1] =	sst s5  }
0xe: {  	[smem:$0x3FB2] =	sst s6  }
0xf: {  	[smem:$0x3FB3] =	sst s7  }
0x10: {  	[smem:$0x3FB4] =	sst s8  }
0x11: {  	[smem:$0x3FB5] =	sst s9;
	s0 =	simm.s32 @!p0 $0x0  }
0x12: {  	s1 =	sld [smem:$0x3F9B];
	s0 =	simm.s32 @p0 $0x1  }
0x13: {  	[smem:$0x3FB6] =	sst s0;
	s0 =	simm.s32 @!p1 $0x0  }
0x14: {  	s2 =	sld [smem:$0x3F9A];
	s0 =	simm.s32 @p1 $0x1  }
0x15: {  	[smem:$0x3FB7] =	sst s0;
	s0 =	simm.s32 @!p2 $0x0  }
0x16: {  	s3 =	sld [smem:$0x3FDB];
	s0 =	simm.s32 @p2 $0x1  }
0x17: {  	s4 =	simm.s32 $0x1BF5;
	[smem:$0x3FB9] =	sst s0  }
0x18: {  	s0 =	sld [smem:$0x3F9C];
	_ =	swait.ge [sflag:s4], $0x0  }
0x19: {  	s7 =	sld [smem:$0x3F9D]  }
0x1a: {  	s8 =	sadd.s32 $0xFFFFE003, lr  }
0x1b: {  	s9 =	sadd.s32 $0xFFFFFEF7, lr;
	s5 =	simm.s32 $0xFFFFFFFF;
	p2 =	slt.u32 s8, $0xFFFFF086  }
0x1c: {  	p1 =	slt.u32 s9, $0xF7A;
	s5 =	simm.s32 @!p2 $0x0  }
0x1d: {  	s5 =	simm.s32 @p1 $0x1;
	p0 =	seq.s32 s7, s2  }
0x1e: {  	s7 =	smul.u32 @!p0 $0xF7A, s2;
	p2 =	seq.s32 @!p0 s5, $0x0  }
0x1f: {  	s9 =	smul.u32 $0xF7A, s1;
	s8 =	simm.s32 @!p0 $0x1BF5;
	p2 =	por !p2, p0  }
0x20: {  	[sflag:s8] =	ssyncset.s32 @!p0 $0xFFFFF086;
	s6 =	sadd.s32 @!p0 s3, s7;
	s7 =	simm.s32 @!p0 $0x108  }
0x21: {  	s3 =	sadd.s32 s3, s9;
	s6 =	sadd.s32 @!p0 $0x88, s6;
	s7 =	simm.s32 @p2 $0x1082  }
0x22: {  	[simem:s7], [sflag:s8] =	dma.local @!p0 [hbm:s6], $0xF7A  }
0x23: {  	s9 =	sor.u32 $0xD0000000, s2;
	s6 =	simm.s32 $0x108;
	_ =	swait.ge @!p0 [sflag:s8], $0x0  }
0x24: {  	s3 =	sadd.s32 $0x88, s3;
	s6 =	simm.s32 @!p1 $0x1082;
	[sflag:s4] =	ssyncset.s32 $0xFFFFF086  }
0x25: {  	[simem:s6], [sflag:s4] =	dma.local [hbm:s3], $0xF7A  }
0x26: {  	[smem:$0x3F9D] =	sst s1;
	(tag) =	ssettag s2;
	_ =	strace s9  }
0x27: {  	s1 =	sld [smem:$0x3FAD]  }
0x28: {  	s2 =	sld [smem:$0x3FAE]  }
0x29: {  	s4 =	sld [smem:$0x3FB0]  }
0x2a: {  	p0 =	seq.s32 s5, $0x0;
	s5 =	sld [smem:$0x3FB1]  }
0x2b: {  	s6 =	sld [smem:$0x3FB2]  }
0x2c: {  	s7 =	sld [smem:$0x3FB3]  }
0x2d: {  	s3 =	simm.s32 $0x108;
	s8 =	sld [smem:$0x3FB4]  }
0x2e: {  	s3 =	simm.s32 @!p0 $0x1082;
	s9 =	sld [smem:$0x3FB5]  }
0x2f: {  	lr =	sadd.s32 s0, s3;
	s0 =	sld [smem:$0x3FAC]  }
0x30: {  	s3 =	sld [smem:$0x3FAF]  }
0x31: {  	[smem:$0x3FB8] =	sst s10  }
0x32: {  	s10 =	sld [smem:$0x3FB6];
	_ =	sdelay $0x3  }
0x33: {  	p0 =	seq.s32 s10, $0x1;
	s10 =	sld [smem:$0x3FB8];
	_ =	sdelay $0x3  }
0x34: {  	[smem:$0x3FB8] =	sst s10  }
0x35: {  	s10 =	sld [smem:$0x3FB7];
	_ =	sdelay $0x3  }
0x36: {  	p1 =	seq.s32 s10, $0x1;
	s10 =	sld [smem:$0x3FB8];
	_ =	sdelay $0x3  }
0x37: {  	[smem:$0x3FB8] =	sst s10  }
0x38: {  	s10 =	sld [smem:$0x3FB9]  }
0x39: {  	_ = 	snop;
	(pc) =	sbr.ind lr, $3  }
0x3a: {  	_ = 	snop  }
0x3b: {  	_ = 	snop  }
0x3c: {  	p2 =	seq.s32 s10, $0x1;
	s10 =	sld [smem:$0x3FB8]  }
0x3d: {  	_ =	shalt  }
0x3e: {  	_ =	shalt  }
0x3f: {  	_ =	shalt  }
0x40: {  	_ =	shalt  }
0x41: {  	_ =	shalt  }
0x42: {  	_ =	shalt  }
0x43: {  	_ =	shalt  }
0x44: {  	_ =	shalt  }
0x45: {  	_ =	shalt  }
0x46: {  	_ =	shalt  }
0x47: {  	_ =	shalt  }
0x48: {  	_ =	shalt  }
0x49: {  	_ =	shalt  }
0x4a: {  	_ =	shalt  }
0x4b: {  	_ =	shalt  }
0x4c: {  	_ =	shalt  }
0x4d: {  	_ =	shalt  }
0x4e: {  	_ =	shalt  }
0x4f: {  	_ =	shalt  }
0x50: {  	_ =	shalt  }
0x51: {  	_ =	shalt  }
0x52: {  	_ =	shalt  }
0x53: {  	_ =	shalt  }
0x54: {  	_ =	shalt  }
0x55: {  	_ =	shalt  }
0x56: {  	_ =	shalt  }
0x57: {  	_ =	shalt  }
0x58: {  	_ =	shalt  }
0x59: {  	_ =	shalt  }
0x5a: {  	_ =	shalt  }
0x5b: {  	_ =	shalt  }
0x5c: {  	_ =	shalt  }
0x5d: {  	_ =	shalt  }
0x5e: {  	_ =	shalt  }
0x5f: {  	_ =	shalt  }
0x60: {  	_ =	shalt  }
0x61: {  	_ =	shalt  }
0x62: {  	_ =	shalt  }
0x63: {  	_ =	shalt  }
0x64: {  	_ =	shalt  }
0x65: {  	_ =	shalt  }
0x66: {  	_ =	shalt  }
0x67: {  	_ =	shalt  }
0x68: {  	_ =	shalt  }
0x69: {  	_ =	shalt  }
0x6a: {  	_ =	shalt  }
0x6b: {  	_ =	shalt  }
0x6c: {  	_ =	shalt  }
0x6d: {  	_ =	shalt  }
0x6e: {  	_ =	shalt  }
0x6f: {  	_ =	shalt  }
0x70: {  	_ =	shalt  }
0x71: {  	_ =	shalt  }
0x72: {  	_ =	shalt  }
0x73: {  	_ =	shalt  }
0x74: {  	_ =	shalt  }
0x75: {  	_ =	shalt  }
0x76: {  	_ =	shalt  }
0x77: {  	_ =	shalt  }
0x78: {  	_ =	shalt  }
0x79: {  	_ =	shalt  }
0x7a: {  	_ =	shalt  }
0x7b: {  	_ =	shalt  }
0x7c: {  	_ =	shalt  }
0x7d: {  	_ =	shalt  }
0x7e: {  	_ =	shalt  }
0x7f: {  	_ =	shalt  }
0x80: {  	_ =	shalt  }
0x81: {  	_ =	shalt  }
0x82: {  	_ =	shalt  }
0x83: {  	_ =	shalt  }
0x84: {  	_ =	shalt  }
0x85: {  	_ =	shalt  }
0x86: {  	_ =	shalt  }
0x87: {  	_ =	shalt  }
.Lfunc_end0:
.L_simem_size_0:
called_computation_lowered:
.L_overlay_start_0:
0x88: {  	s2 =	sld [smem:$0x3FD9]  }
0x89: {  	s3 =	sld [smem:$0x3FFE];
	_ =	sdelay $0x1  }
0x8a: {  	s1 =	srdreg.scid  }
0x8b: {  	s0 =	sand.u32 $0x1, s1  }
0x8c: {  	s17 =	sshll.u32 s0, $0xA;
	s2 =	sadd.s32 s3, s2  }
0x8d: {  	s2 =	sadd.s32 s2, s17  }
0x8e: {  	[smem:$0x3FC4] =	sst s2  }
0x8f: {  	_ = 	snop  }
0x90: {  	s2 =	sld [smem:$0x3FC9];
	(tm) =	ssettm $0x1  }
0x91: {  	s18 =	sld [smem:$0x3FFB];
	_ =	sdelay $0x3  }
0x92: {  	_ =	strace s18  }
0x93: {  	s3 =	sld [smem:$0x3FFC];
	_ =	sdelay $0x3  }
0x94: {  	_ =	strace s3  }
0x95: {  	s3 =	sld [smem:$0x3FFD];
	_ =	sdelay $0x3  }
0x96: {  	_ =	strace s3  }
0x97: {  	_ =	strace $0x8FFFFFFF  }
0x98: {  	s19 =	sld [smem:$0x3FDB];
	_ =	sdelay $0x1  }
0x99: {  	s4 =	simm.s32 $_scs_section_size  }
0x9a: {  	s5 =	simm.s32 $_size__tile_overlayer_lowered;
	s6 =	simm.s32 $_tile_overlayer_lowered  }
0x9b: {  	s22 =	simm.s32 $0x1BFF;
	s21 =	sshll.u32 s6, $0x1;
	s3 =	sadd.s32 s4, s19  }
0x9c: {  	s7 =	simm.s32 $0x0;
	s20 =	sshll.u32 s5, $0x1;
	s5 =	sadd.s32 s21, s3  }
0x9d: {  	[timem:s7], [sflag:s22] =	dma.local [hbm:s5], s20  }
0x9e: {  	_ =	swait.ge [sflag:s22], s20  }
0x9f: {  	s4 =	ssub.s32 $0x0, s20;
	[sflag:s22] =	ssyncset.done $0x0  }
0xa0: {  	[sflag:s22] =	ssyncadd.s32 s4;
	_ =	sdelay $0x1  }
0xa1: {  	s23 =	simm.s32 $0x1B8B  }
0xa2: {  	_ =	swait.ge [sflag:s23], $0x1  }
0xa3: {  	[sflag:s23] =	ssyncset.done $0x0  }
0xa4: {  	s25 =	simm.s32 $0x1B8E;
	s24 =	sld [smem:$0x3FFE];
	[sflag:s23] =	ssyncadd.s32 $0xFFFFFFFF  }
0xa5: {  	s26 =	simm.s32 $execute0_lowered;
	[smem:$0x3FD2] =	sst s25  }
0xa6: {  	s5 =	sshll.u32 s26, $0x1;
	_ =	strace $0x80000046;
	[dreg:$0x1] =	wrdreg $0xFFFFFFFF  }
0xa7: {  	s28 =	simm.s32 $_size_execute0_lowered;
	s3 =	sadd.s32 s3, s5;
	[dreg:$0x0] =	wrdreg $0x0  }
0xa8: {  	s5 =	sshll.u32 s28, $0x1;
	[dreg:$0x2] =	wrdreg s3  }
0xa9: {  	[dreg:$0x3] =	wrdreg s5  }
0xaa: {  	[dreg:$0x4] =	wrdreg $0xC0  }
0xab: {  	_ =	task [dreg:s7], $0x5FFFF  }
0xac: {  	[dreg:$0x1] =	wrdreg $0xFFFFFFFF  }
0xad: {  	[dreg:$0x0] =	wrdreg $0x60  }
0xae: {  	[dreg:$0x2] =	wrdreg s2  }
0xaf: {  	[dreg:$0x3] =	wrdreg s24  }
0xb0: {  	[dreg:$0x4] =	wrdreg $0x9  }
0xb1: {  	_ =	task.clear_ibuf [dreg:s7], $0x5FFFF;
	_ =	strace $0x90000046  }
0xb2: {  	s29 =	simm.s32 $0x9;
	_ =	strace $0x80000048  }
0xb3: {  	_ =	swait.ge [sflag:s29], $0x1  }
0xb4: {  	[sflag:s29] =	ssyncadd.s32 $0xFFFFFFFF  }
0xb5: {  	_ =	strace $0x90000048  }
0xb6: {  	_ =	sfence  }
0xb7: {  	s30 =	sld [smem:$0x0];
	_ =	sdelay $0x2  }
0xb8: {  	s31 =	sshll.u32 s1, $0xD;
	s1 =	sshrl.u32 s1, $0x2  }
0xb9: {  	s3 =	sand.u32 $0x4000, s31;
	s1 =	sadd.s32 s1, s30  }
0xba: {  	s0 =	sor.u32 s3, s0;
	s1 =	sshll.u32 s1, $0x11  }
0xbb: {  	s0 =	sor.u32 s1, s0  }
0xbc: {  	s0 =	sadd.s32 $0x8F2B, s0  }
0xbd: {  	[sflag:s0] =	ssyncadd.remote.s32 $0x1  }
0xbe: {  	_ =	sfence.sel $0xFFFF  }
0xbf: {  	[dreg:$0x0] =	wrdreg $0xFFFFFFFF;
	(pc) =	sbr.abs _section_cstart, $3  }
0xc0: {  	[dreg:$0x1] =	wrdreg $0xFFFFFFFF  }
0xc1: {  	_ =	task.clear_ibuf [dreg:s7], $0x2FFFF;
	_ =	strace $0x9FFFFFFF  }
0xc2: {  	(tm) =	ssettm $0x7FFFFFFF  }
0xc3: {  	_ =	shalt  }
tec
execute0_lowered:
.L_overlay_start_1:
0x0: {  	(tag) =	ssettag $0x1  }
0x1: {  	s5 =	rddreg [dreg:$0x0]  }
0x2: {  	s0 =	stileid.u32;
	s1 =	srdreg.scid  }
0x3: {  	s3 =	rddreg [dreg:$0x1];
	s2 =	simm.s32 $0x0;
	s12 =	simm.s32 $0x10000  }
0x4: {  	s13 =	simm.s32 $0x1;
	s14 =	simm.s32 $0x2;
	s15 =	simm.s32 $0x3  }
0x5: {  	s18 =	simm.s32 $0x18000;
	s19 =	simm.s32 $0x4;
	s20 =	simm.s32 $0x0  }
0x6: {  	s4 =	sand.u32 $0x1, s1;
	s6 =	sshll.u32 s0, $0x1;
	s7 =	sshll.u32 s0, $0xA  }
0x7: {  	[smem:$0x7FF] =	sst s2;
	s6 =	sor.u32 s4, s6;
	s7 =	sand.u32 $0x3000, s7  }
0x8: {  	s4 =	ssub.s32 $0x2, s4;
	_ =	strace $0x80000047;
	s8 =	smul.u32 $0x6000, s6  }
0x9: {  	s9 =	smul.u32 $0x30000, s6;
	s10 =	sadd.s32 s7, s3;
	s28 =	sshrl.u32 s4, $0x1  }
.Ltmp0:
0xa: {  	s30 =	sshll.u32 s6, $0x4;
	s11 =	ssub.s32 s4, s28;
	(pc) =	sbr.rel .LBB2_1-.Ltmp0, $4  }
0xb: {  	s31 =	sand.u32 $0x70, s30;
	s3 =	sadd.s32 s5, s8;
	s29 =	sshrl.u32 s9, $0x3  }
0xc: {  	s9 =	sadd.s32 s31, s10;
	s10 =	smax.u32 s11, $0x1;
	s4 =	sadd.s32 $0x1000, s3  }
0xd: {  	s5 =	sadd.s32 s5, s29;
	s6 =	sadd.s32 $0x3000, s3;
	s7 =	sadd.s32 $0x4000, s3  }
0xe: {  	v0 =	vimm.f32 $0.0e+00;
	s8 =	sadd.s32 $0x5000, s3;
	s9 =	sadd.s32 $0x400, s9;
	s5 =	sadd.s32 $0x2000, s5  }
.LBB2_12:
0xf: {  	s20 =	sadd.s32 $0x1, s20  }
0x10: {  	p0 =	sne.s32 s20, s10  }
.Ltmp1:
0x11: {  	s0 =	simm.s32 $0x80;
	s1 =	simm.s32 $0x400;
	(pc) =	sbr.rel @!p0 .LBB2_13-.Ltmp1, $4  }
0x12: {  	[hbm4b:s9+s0] =	stream.strided.scatter [tilespmem:s18], [sflag:$0x4], $0x1000, s1, s0, $0x38;
	[tilespmem:$0x19000] =	vst v63  }
0x13: {  	_ =	swait.ge [sflag:s19], $0x1000  }
0x14: {  	[sflag:s19] =	ssyncset.done $0x0  }
0x15: {  	[sflag:s19] =	ssyncadd.s32 $0xFFFFF000  }
.LBB2_1:
0x16: {  	s21 =	simm.s32 $0x40;
	s22 =	simm.s32 $0x0  }
.LBB2_2:
0x17: {  	p0 =	sne.s32 s21, $0x3FC0;
	[tilespmem:s22+$0x18000] =	vst v0;
	s22 =	smov.u32 s21;
	s21 =	sadd.s32 $0x40, s21  }
.Ltmp2:
0x18: {  	(pc) =	sbr.rel @p0 .LBB2_2-.Ltmp2, $2  }
0x19: {  	_ =	sdelay $0x2  }
0x1a: {  	s22 =	sshra.s32 s22, $0x2  }
0x1b: {  	[tilespmem:s22+$0x18000] =	vst v0  }
0x1c: {  	[tilespmem:s2], [sflag:$0x1] =	stream.linear.gather [hbm4b:s3+s2], $0x8000, $0x38;
	[tilespmem:$0x19000] =	vst v63  }
0x1d: {  	s0 =	simm.s32 $0x8000;
	p0 =	por $0x0, $0x0;
	s21 =	smov.u32 s5  }
0x1e: {  	[tilespmem:s0], [sflag:$0x2] =	stream.linear.gather [hbm4b:s4+s2], $0x8000, $0x38;
	[tilespmem:$0x19000] =	vst v63  }
.LBB2_4:
0x1f: {  	s22 =	simm.s32 $0x0  }
0x20: {  	[tilespmem:s12], [sflag:$0x3] =	stream.linear.gather [hbm4b:s21+s22], $0x8000, $0x38;
	[tilespmem:$0x19000] =	vst v63  }
0x21: {  	s1 =	sand.u32 $0x40, s22;
	_ =	swait.ge [sflag:s13], $0x8000  }
0x22: {  	s24 =	sand.u32 $0x7C00, s22;
	s23 =	sor.u32 $0x30, s1;
	[sflag:s13] =	ssyncset.done $0x0  }
0x23: {  	s25 =	sor.u32 s23, s24;
	[sflag:s13] =	ssyncadd.s32 $0xFFFF8000  }
0x24: {  	v1 =	vld [tilespmem:s25+$0x0]  }
0x25: {  	v2 =	vld [tilespmem:s25+$0x80]  }
0x26: {  	v3 =	vld [tilespmem:s25+$0x100]  }
0x27: {  	v4 =	vld [tilespmem:s25+$0x180]  }
0x28: {  	v5 =	vld [tilespmem:s25+$0x200]  }
0x29: {  	v6 =	vld [tilespmem:s25+$0x280]  }
0x2a: {  	s26 =	sor.u32 $0x10, s1;
	v7 =	vld [tilespmem:s25+$0x300]  }
0x2b: {  	s28 =	sor.u32 s26, s24;
	v8 =	vld [tilespmem:s25+$0x380]  }
0x2c: {  	v9 =	vld [tilespmem:s28+$0x0]  }
0x2d: {  	v10 =	vld [tilespmem:s28+$0x80]  }
0x2e: {  	s22 =	sand.u32 $0xF80, s22;
	v11 =	vld [tilespmem:s28+$0x100]  }
0x2f: {  	s22 =	sor.u32 $0x18000, s22;
	v12 =	vld [tilespmem:s28+$0x180]  }
0x30: {  	s23 =	sor.u32 s23, s22;
	v13 =	vld [tilespmem:s28+$0x200]  }
0x31: {  	v14 =	vld [tilespmem:s23+$0x0]  }
0x32: {  	v15 =	vld [tilespmem:s28+$0x280]  }
0x33: {  	s29 =	sor.u32 $0x20, s1;
	v16 =	vld [tilespmem:s28+$0x300]  }
0x34: {  	s11 =	sor.u32 s29, s24;
	v17 =	vld [tilespmem:s28+$0x380]  }
0x35: {  	v18 =	vld [tilespmem:s11+$0x0]  }
0x36: {  	v19 =	vld [tilespmem:s11+$0x80]  }
0x37: {  	v20 =	vld [tilespmem:s11+$0x100]  }
0x38: {  	v21 =	vld [tilespmem:s11+$0x180]  }
0x39: {  	v22 =	vld [tilespmem:s11+$0x200]  }
0x3a: {  	v23 =	vld [tilespmem:s11+$0x280]  }
0x3b: {  	v24 =	vld [tilespmem:s11+$0x300]  }
0x3c: {  	s21 =	sor.u32 s1, s24;
	v25 =	vld [tilespmem:s11+$0x380]  }
0x3d: {  	v26 =	vld [tilespmem:s21+$0x0]  }
0x3e: {  	v27 =	vld [tilespmem:s21+$0x80]  }
0x3f: {  	v28 =	vld [tilespmem:s21+$0x100]  }
0x40: {  	v29 =	vld [tilespmem:s21+$0x180]  }
0x41: {  	v30 =	vld [tilespmem:s21+$0x200]  }
0x42: {  	v31 =	vld [tilespmem:s21+$0x280]  }
0x43: {  	v32 =	vld [tilespmem:s21+$0x300]  }
0x44: {  	s30 =	simm.s32 $0x40;
	s24 =	sor.u32 s29, s22;
	v33 =	vld [tilespmem:s21+$0x380]  }
0x45: {  	s25 =	sor.u32 s26, s22;
	s28 =	sand.u32 $0x40, s30;
	s22 =	simm.s32 $0x200;
	v35 =	vld [tilespmem:s24+$0x0]  }
0x46: {  	s21 =	simm.s32 $0x18000;
	v34 =	vld [tilespmem:s25+$0x0];
	s29 =	sand.u32 $0x7C00, s22;
	s31 =	sor.u32 $0x30, s28  }
0x47: {  	v36 =	vld [tilespmem:s21+$0x0];
	s1 =	sor.u32 s31, s29  }
0x48: {  	v37 =	vld [tilespmem:s1+$0x0]  }
0x49: {  	v38 =	vld [tilespmem:s1+$0x80]  }
0x4a: {  	s26 =	sor.u32 $0x10, s28;
	v39 =	vld [tilespmem:s1+$0x100]  }
0x4b: {  	s16 =	sand.u32 $0xF80, s30;
	s0 =	sor.u32 s26, s29;
	v40 =	vld [tilespmem:s1+$0x180]  }
0x4c: {  	s30 =	sor.u32 $0x18000, s16;
	v60 =	vld [tilespmem:s0+$0x180]  }
0x4d: {  	s31 =	sor.u32 s31, s30;
	v63 =	vld [tilespmem:s0+$0x200];
	v1 =	vadd.f32 v2, v1  }
0x4e: {  	v43 =	vld [tilespmem:s31+$0x0];
	v2 =	vadd.f32 v4, v3;
	v4 =	vadd.f32 v6, v5  }
0x4f: {  	s17 =	sor.u32 $0x20, s28;
	v45 =	vld [tilespmem:s0+$0x300];
	v5 =	vadd.f32 v8, v7;
	v8 =	vadd.f32 v12, v11  }
0x50: {  	s11 =	sor.u32 s17, s29;
	v48 =	vld [tilespmem:s0+$0x380];
	v11 =	vadd.f32 v17, v16;
	v61 =	vadd.f32 v19, v18  }
0x51: {  	v49 =	vld [tilespmem:s11+$0x0];
	v62 =	vadd.f32 v21, v20;
	v41 =	vadd.f32 v23, v22  }
0x52: {  	v51 =	vld [tilespmem:s11+$0x80];
	v42 =	vadd.f32 v25, v24;
	v46 =	vadd.f32 v27, v26  }
0x53: {  	v3 =	vld [tilespmem:s1+$0x200];
	v47 =	vadd.f32 v29, v28;
	v50 =	vadd.f32 v31, v30  }
0x54: {  	v6 =	vld [tilespmem:s1+$0x280];
	v52 =	vadd.f32 v33, v32;
	v1 =	vadd.f32 v2, v1  }
0x55: {  	v7 =	vld [tilespmem:s1+$0x300];
	v2 =	vadd.f32 v5, v4;
	v5 =	vadd.f32 v10, v9  }
0x56: {  	v4 =	vld [tilespmem:s1+$0x380];
	v44 =	vadd.f32 v42, v41;
	v17 =	vadd.f32 v47, v46  }
0x57: {  	v9 =	vld [tilespmem:s0+$0x0];
	v54 =	vadd.f32 v38, v37;
	v55 =	vadd.f32 v40, v39  }
0x58: {  	v10 =	vld [tilespmem:s0+$0x80];
	v1 =	vadd.f32 v2, v1;
	v2 =	vadd.f32 v8, v5  }
0x59: {  	v53 =	vld [tilespmem:s11+$0x100];
	v8 =	vadd.f32 v15, v13;
	v13 =	vadd.f32 v62, v61  }
0x5a: {  	v57 =	vld [tilespmem:s11+$0x280];
	v15 =	vadd.f32 v48, v45;
	v3 =	vadd.f32 v6, v3  }
0x5b: {  	v5 =	vld [tilespmem:s0+$0x100];
	v58 =	vadd.f32 v55, v54;
	v1 =	vadd.f32 v1, v14  }
0x5c: {  	v6 =	vld [tilespmem:s11+$0x200];
	v8 =	vadd.f32 v11, v8;
	v4 =	vadd.f32 v4, v7  }
0x5d: {  	v11 =	vld [tilespmem:s0+$0x280];
	v7 =	vadd.f32 v52, v50;
	v9 =	vadd.f32 v10, v9  }
0x5e: {  	v56 =	vld [tilespmem:s11+$0x180];
	v2 =	vadd.f32 v8, v2;
	v8 =	vadd.f32 v44, v13  }
0x5f: {  	v10 =	vld [tilespmem:s11+$0x380];
	v3 =	vadd.f32 v4, v3;
	v7 =	vadd.f32 v7, v17  }
0x60: {  	s29 =	sor.u32 s28, s29;
	v4 =	vld [tilespmem:s11+$0x300];
	v5 =	vadd.f32 v60, v5;
	v2 =	vadd.f32 v2, v34  }
0x61: {  	v61 =	vld [tilespmem:s29+$0x80];
	v8 =	vadd.f32 v8, v35;
	v14 =	vadd.f32 v57, v6  }
0x62: {  	v60 =	vld [tilespmem:s29+$0x0];
	v59 =	vadd.f32 v3, v58;
	v11 =	vadd.f32 v11, v63  }
0x63: {  	v62 =	vadd.f32 v7, v36;
	v9 =	vadd.f32 v5, v9;
	v3 =	vld [tilespmem:s29+$0x100]  }
0x64: {  	[tilespmem:s23+$0x0] =	vst v1;
	v7 =	vld [tilespmem:s29+$0x180];
	v63 =	vadd.f32 v56, v53;
	v1 =	vadd.f32 v15, v11  }
0x65: {  	v5 =	vld [tilespmem:s29+$0x280];
	[tilespmem:s25+$0x0] =	vst v2;
	v11 =	vadd.f32 v51, v49;
	v10 =	vadd.f32 v10, v4  }
0x66: {  	v2 =	vld [tilespmem:s29+$0x200];
	[tilespmem:s24+$0x0] =	vst v8;
	v12 =	vadd.f32 v59, v43  }
0x67: {  	s26 =	sor.u32 s26, s30;
	[tilespmem:s21+$0x0] =	vst v62;
	v4 =	vld [tilespmem:s29+$0x300];
	v6 =	vadd.f32 v63, v11;
	v10 =	vadd.f32 v10, v14  }
0x68: {  	s23 =	simm.s32 $0x4;
	s25 =	sor.u32 s17, s30;
	s24 =	simm.s32 $0x80;
	v8 =	vadd.f32 v61, v60;
	v1 =	vadd.f32 v1, v9;
	[tilespmem:s31+$0x0] =	vst v12;
	v9 =	vld [tilespmem:s29+$0x380]  }
.LBB2_5:
0x69: {  	s0 =	sand.u32 $0x40, s24;
	v3 =	vadd.f32 v7, v3;
	v7 =	vld [tilespmem:s26+$0x0];
	v6 =	vadd.f32 v10, v6;
	s22 =	sadd.s32 $0x200, s22;
	s21 =	sadd.s32 $0x40, s21  }
0x6a: {  	s1 =	sand.u32 $0x7C00, s22;
	s11 =	sor.u32 $0x10, s0;
	s31 =	sor.u32 $0x30, s0;
	v10 =	vld [tilespmem:s25+$0x0]  }
0x6b: {  	s16 =	sor.u32 $0x20, s0;
	s30 =	sor.u32 s11, s1;
	s17 =	sor.u32 s31, s1;
	v2 =	vadd.f32 v5, v2;
	v5 =	vld [tilespmem:s21+$0x0];
	v3 =	vadd.f32 v3, v8  }
0x6c: {  	s28 =	sor.u32 s0, s1;
	s29 =	sor.u32 s16, s1;
	v8 =	vld [tilespmem:s17+$0x0]  }
0x6d: {  	v11 =	vld [tilespmem:s17+$0x80];
	v4 =	vadd.f32 v9, v4  }
0x6e: {  	v9 =	vld [tilespmem:s17+$0x100];
	v1 =	vadd.f32 v1, v7  }
0x6f: {  	v7 =	vld [tilespmem:s17+$0x180];
	v2 =	vadd.f32 v4, v2;
	v4 =	vadd.f32 v6, v10  }
0x70: {  	s23 =	sadd.s32 $0x4, s23;
	v6 =	vld [tilespmem:s17+$0x200];
	[tilespmem:s26+$0x0] =	vst v1  }
0x71: {  	p1 =	slt.u32 s23, $0xFC;
	v1 =	vld [tilespmem:s17+$0x280];
	v2 =	vadd.f32 v2, v3;
	[tilespmem:s25+$0x0] =	vst v4  }
0x72: {  	v3 =	vld [tilespmem:s17+$0x300]  }
0x73: {  	v4 =	vld [tilespmem:s17+$0x380];
	v2 =	vadd.f32 v2, v5  }
0x74: {  	v5 =	vld [tilespmem:s30+$0x0]  }
0x75: {  	v10 =	vld [tilespmem:s30+$0x80];
	[tilespmem:s21+$0x0] =	vst v2  }
0x76: {  	s0 =	sand.u32 $0xF80, s24;
	v2 =	vld [tilespmem:s30+$0x100]  }
0x77: {  	s0 =	sor.u32 $0x18000, s0;
	v8 =	vadd.f32 v11, v8;
	v7 =	vadd.f32 v7, v9;
	v12 =	vld [tilespmem:s30+$0x180]  }
0x78: {  	s26 =	sor.u32 s11, s0;
	s25 =	sor.u32 s16, s0;
	s0 =	sor.u32 s31, s0;
	v1 =	vadd.f32 v1, v6;
	v9 =	vld [tilespmem:s30+$0x200];
	v3 =	vadd.f32 v4, v3  }
0x79: {  	v4 =	vld [tilespmem:s0+$0x0]  }
0x7a: {  	v7 =	vadd.f32 v7, v8;
	v6 =	vld [tilespmem:s30+$0x280];
	v1 =	vadd.f32 v3, v1  }
0x7b: {  	v3 =	vadd.f32 v10, v5;
	v5 =	vld [tilespmem:s30+$0x300]  }
0x7c: {  	v2 =	vadd.f32 v12, v2;
	v8 =	vld [tilespmem:s30+$0x380];
	v1 =	vadd.f32 v1, v7  }
0x7d: {  	v7 =	vld [tilespmem:s29+$0x0]  }
0x7e: {  	v2 =	vadd.f32 v2, v3;
	v3 =	vld [tilespmem:s29+$0x80];
	v1 =	vadd.f32 v1, v4  }
0x7f: {  	v4 =	vadd.f32 v6, v9;
	v6 =	vld [tilespmem:s29+$0x100]  }
0x80: {  	v9 =	vld [tilespmem:s29+$0x180];
	[tilespmem:s0+$0x0] =	vst v1  }
0x81: {  	v1 =	vadd.f32 v8, v5;
	v5 =	vld [tilespmem:s29+$0x200]  }
0x82: {  	v8 =	vld [tilespmem:s29+$0x280]  }
0x83: {  	v1 =	vadd.f32 v1, v4;
	v4 =	vadd.f32 v3, v7;
	v10 =	vld [tilespmem:s29+$0x300]  }
0x84: {  	v11 =	vld [tilespmem:s29+$0x380]  }
0x85: {  	v12 =	vld [tilespmem:s28+$0x0];
	v1 =	vadd.f32 v1, v2;
	v2 =	vadd.f32 v9, v6  }
0x86: {  	v9 =	vld [tilespmem:s28+$0x80]  }
0x87: {  	v3 =	vld [tilespmem:s28+$0x100];
	v13 =	vadd.f32 v8, v5;
	v6 =	vadd.f32 v2, v4  }
.Ltmp3:
0x88: {  	v7 =	vld [tilespmem:s28+$0x180];
	(pc) =	sbr.rel @p1 .LBB2_5-.Ltmp3, $4  }
0x89: {  	v2 =	vld [tilespmem:s28+$0x200];
	v10 =	vadd.f32 v11, v10  }
0x8a: {  	v5 =	vld [tilespmem:s28+$0x280]  }
0x8b: {  	v8 =	vadd.f32 v9, v12;
	v4 =	vld [tilespmem:s28+$0x300];
	v10 =	vadd.f32 v10, v13  }
0x8c: {  	s24 =	sadd.s32 $0x40, s24;
	v9 =	vld [tilespmem:s28+$0x380]  }
0x8d: {  	_ =	sdelay $0x2  }
0x8e: {  	v3 =	vadd.f32 v7, v3;
	v7 =	vld [tilespmem:s26+$0x0]  }
0x8f: {  	s0 =	sadd.s32 $0x40, s21;
	v11 =	vld [tilespmem:s25+$0x0];
	v2 =	vadd.f32 v5, v2;
	v4 =	vadd.f32 v9, v4  }
0x90: {  	v5 =	vld [tilespmem:s0+$0x0]  }
0x91: {  	v3 =	vadd.f32 v3, v8;
	v2 =	vadd.f32 v4, v2  }
0x92: {  	v4 =	vadd.f32 v10, v6  }
0x93: {  	v1 =	vadd.f32 v1, v7;
	v2 =	vadd.f32 v2, v3  }
0x94: {  	v3 =	vadd.f32 v4, v11  }
0x95: {  	[tilespmem:s26+$0x0] =	vst v1;
	v1 =	vadd.f32 v2, v5  }
0x96: {  	[tilespmem:s25+$0x0] =	vst v3  }
0x97: {  	[tilespmem:s0+$0x0] =	vst v1;
	s0 =	simm.s32 @!p0 $0x0  }
0x98: {  	[tilespmem:s0], [sflag:$0x1] =	stream.linear.gather @!p0 [hbm4b:s6+s0], $0x8000, $0x38;
	[tilespmem:$0x19000] =	vst v63  }
0x99: {  	s30 =	simm.s32 $0x0;
	s21 =	simm.s32 $0x18000;
	_ =	swait.ge [sflag:s14], $0x8000  }
0x9a: {  	s1 =	sand.u32 $0x40, s30;
	s11 =	sand.u32 $0x7C00, s30;
	[sflag:s14] =	ssyncset.done $0x0  }
0x9b: {  	s11 =	sor.u32 $0x8000, s11;
	s16 =	sor.u32 $0x30, s1;
	[sflag:s14] =	ssyncadd.s32 $0xFFFF8000  }
0x9c: {  	s17 =	sor.u32 s16, s11;
	v3 =	vld [tilespmem:s21+$0x0]  }
0x9d: {  	v1 =	vld [tilespmem:s17+$0x0]  }
0x9e: {  	v2 =	vld [tilespmem:s17+$0x80]  }
0x9f: {  	v4 =	vld [tilespmem:s17+$0x100]  }
0xa0: {  	v5 =	vld [tilespmem:s17+$0x180]  }
0xa1: {  	v6 =	vld [tilespmem:s17+$0x200]  }
0xa2: {  	v7 =	vld [tilespmem:s17+$0x280]  }
0xa3: {  	v8 =	vld [tilespmem:s17+$0x300]  }
0xa4: {  	s22 =	sor.u32 s1, s11;
	v9 =	vld [tilespmem:s17+$0x380]  }
0xa5: {  	v10 =	vld [tilespmem:s22+$0x0]  }
0xa6: {  	v11 =	vld [tilespmem:s22+$0x80]  }
0xa7: {  	s0 =	sand.u32 $0xF80, s30;
	v12 =	vld [tilespmem:s22+$0x100]  }
0xa8: {  	s0 =	sor.u32 $0x18000, s0;
	v13 =	vld [tilespmem:s22+$0x180]  }
0xa9: {  	s16 =	sor.u32 s16, s0;
	v14 =	vld [tilespmem:s22+$0x200]  }
0xaa: {  	v15 =	vld [tilespmem:s16+$0x0]  }
0xab: {  	v16 =	vld [tilespmem:s22+$0x280]  }
0xac: {  	s31 =	sor.u32 $0x10, s1;
	v17 =	vld [tilespmem:s22+$0x300]  }
0xad: {  	s23 =	sor.u32 s31, s11;
	v18 =	vld [tilespmem:s22+$0x380]  }
0xae: {  	v19 =	vld [tilespmem:s23+$0x0]  }
0xaf: {  	v20 =	vld [tilespmem:s23+$0x80]  }
0xb0: {  	v60 =	vld [tilespmem:s23+$0x380];
	v1 =	vadd.f32 v2, v1;
	v2 =	vadd.f32 v5, v4  }
0xb1: {  	v4 =	vld [tilespmem:s23+$0x100];
	v5 =	vadd.f32 v7, v6;
	v6 =	vadd.f32 v9, v8  }
0xb2: {  	v7 =	vld [tilespmem:s23+$0x180];
	v9 =	vadd.f32 v13, v12;
	v59 =	vadd.f32 v18, v17  }
0xb3: {  	v8 =	vld [tilespmem:s23+$0x200];
	v1 =	vadd.f32 v2, v1;
	v2 =	vadd.f32 v6, v5  }
0xb4: {  	s1 =	sor.u32 $0x20, s1;
	v5 =	vld [tilespmem:s23+$0x280];
	v6 =	vadd.f32 v11, v10;
	v11 =	vadd.f32 v16, v14  }
0xb5: {  	s11 =	sor.u32 s1, s11;
	v10 =	vld [tilespmem:s23+$0x300]  }
0xb6: {  	v61 =	vld [tilespmem:s11+$0x0];
	v6 =	vadd.f32 v9, v6;
	v9 =	vadd.f32 v59, v11  }
0xb7: {  	v63 =	vadd.f32 v20, v19;
	v1 =	vadd.f32 v2, v1;
	v11 =	vld [tilespmem:s11+$0x80]  }
0xb8: {  	v2 =	vld [tilespmem:s11+$0x100];
	v4 =	vadd.f32 v7, v4;
	v9 =	vadd.f32 v9, v6  }
0xb9: {  	v62 =	vadd.f32 v1, v15;
	v6 =	vld [tilespmem:s11+$0x180];
	v7 =	vadd.f32 v5, v8  }
0xba: {  	v1 =	vld [tilespmem:s11+$0x200];
	v8 =	vadd.f32 v9, v3;
	v9 =	vadd.f32 v60, v10  }
0xbb: {  	v3 =	vld [tilespmem:s11+$0x280]  }
0xbc: {  	s24 =	simm.s32 $0x200;
	s25 =	simm.s32 $0x40;
	v5 =	vadd.f32 v4, v63;
	v4 =	vld [tilespmem:s11+$0x300];
	[tilespmem:s16+$0x0] =	vst v62;
	v9 =	vadd.f32 v9, v7  }
0xbd: {  	s26 =	sor.u32 s31, s0;
	s22 =	simm.s32 $0x0;
	s23 =	sor.u32 s1, s0;
	[tilespmem:s21+$0x0] =	vst v8;
	v8 =	vadd.f32 v11, v61;
	v7 =	vld [tilespmem:s11+$0x380]  }
.LBB2_7:
0xbe: {  	s0 =	sand.u32 $0x40, s25;
	s1 =	sand.u32 $0x7C00, s24;
	v10 =	vld [tilespmem:s26+$0x0];
	v5 =	vadd.f32 v9, v5;
	v2 =	vadd.f32 v6, v2;
	s21 =	sadd.s32 $0x40, s21  }
0xbf: {  	s1 =	sor.u32 $0x8000, s1;
	s11 =	sor.u32 $0x10, s0;
	s16 =	sor.u32 $0x30, s0;
	v6 =	vld [tilespmem:s23+$0x0]  }
0xc0: {  	s30 =	sor.u32 s0, s1;
	v9 =	vld [tilespmem:s21+$0x0];
	s0 =	sor.u32 $0x20, s0;
	s17 =	sor.u32 s16, s1;
	v1 =	vadd.f32 v3, v1;
	v2 =	vadd.f32 v2, v8  }
0xc1: {  	s29 =	sor.u32 s11, s1;
	s28 =	sor.u32 s0, s1;
	v3 =	vld [tilespmem:s17+$0x0]  }
0xc2: {  	v8 =	vld [tilespmem:s17+$0x80];
	v4 =	vadd.f32 v7, v4  }
0xc3: {  	v7 =	vld [tilespmem:s17+$0x100];
	v5 =	vadd.f32 v5, v10  }
0xc4: {  	v10 =	vld [tilespmem:s17+$0x180];
	v1 =	vadd.f32 v4, v1  }
0xc5: {  	s22 =	sadd.s32 $0x4, s22;
	v4 =	vld [tilespmem:s17+$0x200];
	[tilespmem:s26+$0x0] =	vst v5  }
0xc6: {  	p1 =	slt.u32 s22, $0xFC;
	v5 =	vld [tilespmem:s17+$0x280];
	v1 =	vadd.f32 v1, v2  }
0xc7: {  	v2 =	vld [tilespmem:s17+$0x300]  }
0xc8: {  	v11 =	vld [tilespmem:s17+$0x380];
	v1 =	vadd.f32 v1, v6  }
0xc9: {  	v6 =	vld [tilespmem:s30+$0x0]  }
0xca: {  	v12 =	vld [tilespmem:s30+$0x80];
	[tilespmem:s23+$0x0] =	vst v1  }
0xcb: {  	s1 =	sand.u32 $0xF80, s25;
	v1 =	vld [tilespmem:s30+$0x100]  }
0xcc: {  	s1 =	sor.u32 $0x18000, s1;
	v3 =	vadd.f32 v8, v3;
	v7 =	vadd.f32 v10, v7;
	v13 =	vld [tilespmem:s30+$0x180]  }
0xcd: {  	s26 =	sor.u32 s11, s1;
	s23 =	sor.u32 s0, s1;
	s0 =	sor.u32 s16, s1;
	v4 =	vadd.f32 v5, v4;
	v8 =	vld [tilespmem:s30+$0x200];
	v2 =	vadd.f32 v11, v2  }
0xce: {  	v5 =	vld [tilespmem:s0+$0x0]  }
0xcf: {  	v3 =	vadd.f32 v7, v3;
	v10 =	vld [tilespmem:s30+$0x280];
	v2 =	vadd.f32 v2, v4  }
0xd0: {  	v4 =	vadd.f32 v12, v6;
	v6 =	vld [tilespmem:s30+$0x300]  }
0xd1: {  	v1 =	vadd.f32 v13, v1;
	v7 =	vld [tilespmem:s30+$0x380];
	v2 =	vadd.f32 v2, v3  }
0xd2: {  	v3 =	vld [tilespmem:s29+$0x0]  }
0xd3: {  	v1 =	vadd.f32 v1, v4;
	v4 =	vld [tilespmem:s29+$0x80];
	v2 =	vadd.f32 v2, v5  }
0xd4: {  	v5 =	vadd.f32 v10, v8;
	v8 =	vld [tilespmem:s29+$0x100]  }
0xd5: {  	v10 =	vld [tilespmem:s29+$0x180];
	[tilespmem:s0+$0x0] =	vst v2  }
0xd6: {  	v2 =	vadd.f32 v7, v6;
	v6 =	vld [tilespmem:s29+$0x200]  }
0xd7: {  	v7 =	vld [tilespmem:s29+$0x280]  }
0xd8: {  	v2 =	vadd.f32 v2, v5;
	v3 =	vadd.f32 v4, v3;
	v4 =	vld [tilespmem:s29+$0x300]  }
0xd9: {  	v11 =	vld [tilespmem:s29+$0x380]  }
0xda: {  	v1 =	vadd.f32 v2, v1;
	v2 =	vadd.f32 v10, v8;
	v8 =	vld [tilespmem:s28+$0x0]  }
0xdb: {  	v10 =	vld [tilespmem:s28+$0x80]  }
0xdc: {  	v7 =	vadd.f32 v7, v6;
	v5 =	vadd.f32 v2, v3;
	v2 =	vld [tilespmem:s28+$0x100]  }
.Ltmp4:
0xdd: {  	v3 =	vadd.f32 v1, v9;
	v6 =	vld [tilespmem:s28+$0x180];
	(pc) =	sbr.rel @p1 .LBB2_7-.Ltmp4, $4  }
0xde: {  	v4 =	vadd.f32 v11, v4;
	v1 =	vld [tilespmem:s28+$0x200]  }
0xdf: {  	[tilespmem:s21+$0x0] =	vst v3;
	v3 =	vld [tilespmem:s28+$0x280]  }
0xe0: {  	v9 =	vadd.f32 v4, v7;
	v8 =	vadd.f32 v10, v8;
	v4 =	vld [tilespmem:s28+$0x300]  }
0xe1: {  	s24 =	sadd.s32 $0x200, s24;
	s25 =	sadd.s32 $0x40, s25;
	v7 =	vld [tilespmem:s28+$0x380]  }
0xe2: {  	_ =	sdelay $0x2  }
0xe3: {  	v2 =	vadd.f32 v6, v2  }
0xe4: {  	v6 =	vld [tilespmem:s26+$0x0];
	v1 =	vadd.f32 v3, v1;
	v3 =	vadd.f32 v7, v4  }
0xe5: {  	v4 =	vld [tilespmem:s23+$0x0]  }
0xe6: {  	v2 =	vadd.f32 v2, v8;
	v1 =	vadd.f32 v3, v1  }
0xe7: {  	v3 =	vadd.f32 v9, v5  }
0xe8: {  	v1 =	vadd.f32 v1, v2  }
0xe9: {  	v2 =	vadd.f32 v3, v6  }
0xea: {  	v1 =	vadd.f32 v1, v4  }
0xeb: {  	[tilespmem:s26+$0x0] =	vst v2  }
0xec: {  	s0 =	simm.s32 @!p0 $0x0;
	s1 =	simm.s32 @!p0 $0x8000;
	[tilespmem:s23+$0x0] =	vst v1  }
0xed: {  	[tilespmem:s1], [sflag:$0x2] =	stream.linear.gather @!p0 [hbm4b:s7+s0], $0x8000, $0x38;
	[tilespmem:$0x19000] =	vst v63  }
0xee: {  	s28 =	simm.s32 $0x0;
	s21 =	simm.s32 $0x18000;
	_ =	swait.ge [sflag:s15], $0x8000  }
0xef: {  	s29 =	sand.u32 $0x40, s28;
	s11 =	sand.u32 $0x7C00, s28;
	[sflag:s15] =	ssyncset.done $0x0  }
0xf0: {  	s11 =	sor.u32 $0x10000, s11;
	s16 =	sor.u32 $0x30, s29;
	[sflag:s15] =	ssyncadd.s32 $0xFFFF8000  }
0xf1: {  	s17 =	sor.u32 s16, s11;
	v3 =	vld [tilespmem:s21+$0x0]  }
0xf2: {  	v1 =	vld [tilespmem:s17+$0x0]  }
0xf3: {  	v2 =	vld [tilespmem:s17+$0x80]  }
0xf4: {  	v4 =	vld [tilespmem:s17+$0x100]  }
0xf5: {  	v5 =	vld [tilespmem:s17+$0x180]  }
0xf6: {  	v6 =	vld [tilespmem:s17+$0x200]  }
0xf7: {  	v7 =	vld [tilespmem:s17+$0x280]  }
0xf8: {  	v8 =	vld [tilespmem:s17+$0x300]  }
0xf9: {  	s22 =	sor.u32 s29, s11;
	v9 =	vld [tilespmem:s17+$0x380]  }
0xfa: {  	v10 =	vld [tilespmem:s22+$0x0]  }
0xfb: {  	v11 =	vld [tilespmem:s22+$0x80]  }
0xfc: {  	s0 =	sand.u32 $0xF80, s28;
	v12 =	vld [tilespmem:s22+$0x100]  }
0xfd: {  	s0 =	sor.u32 $0x18000, s0;
	v13 =	vld [tilespmem:s22+$0x180]  }
0xfe: {  	s16 =	sor.u32 s16, s0;
	v14 =	vld [tilespmem:s22+$0x200]  }
0xff: {  	v15 =	vld [tilespmem:s16+$0x0]  }
0x100: {  	v16 =	vld [tilespmem:s22+$0x280]  }
0x101: {  	s30 =	sor.u32 $0x10, s29;
	v17 =	vld [tilespmem:s22+$0x300]  }
0x102: {  	s31 =	sor.u32 s30, s11;
	v18 =	vld [tilespmem:s22+$0x380]  }
0x103: {  	v19 =	vld [tilespmem:s31+$0x0]  }
0x104: {  	v20 =	vld [tilespmem:s31+$0x80]  }
0x105: {  	v60 =	vld [tilespmem:s31+$0x380];
	v1 =	vadd.f32 v2, v1;
	v2 =	vadd.f32 v5, v4  }
0x106: {  	v4 =	vld [tilespmem:s31+$0x100];
	v5 =	vadd.f32 v7, v6;
	v6 =	vadd.f32 v9, v8  }
0x107: {  	v7 =	vld [tilespmem:s31+$0x180];
	v9 =	vadd.f32 v13, v12;
	v59 =	vadd.f32 v18, v17  }
0x108: {  	v8 =	vld [tilespmem:s31+$0x200];
	v1 =	vadd.f32 v2, v1;
	v2 =	vadd.f32 v6, v5  }
0x109: {  	s1 =	sor.u32 $0x20, s29;
	v5 =	vld [tilespmem:s31+$0x280];
	v6 =	vadd.f32 v11, v10;
	v11 =	vadd.f32 v16, v14  }
0x10a: {  	s11 =	sor.u32 s1, s11;
	v10 =	vld [tilespmem:s31+$0x300]  }
0x10b: {  	v61 =	vld [tilespmem:s11+$0x0];
	v6 =	vadd.f32 v9, v6;
	v9 =	vadd.f32 v59, v11  }
0x10c: {  	v63 =	vadd.f32 v20, v19;
	v1 =	vadd.f32 v2, v1;
	v11 =	vld [tilespmem:s11+$0x80]  }
0x10d: {  	v2 =	vld [tilespmem:s11+$0x100];
	v4 =	vadd.f32 v7, v4;
	v9 =	vadd.f32 v9, v6  }
0x10e: {  	v62 =	vadd.f32 v1, v15;
	v6 =	vld [tilespmem:s11+$0x180];
	v7 =	vadd.f32 v5, v8  }
0x10f: {  	v1 =	vld [tilespmem:s11+$0x200];
	v8 =	vadd.f32 v9, v3;
	v9 =	vadd.f32 v60, v10  }
0x110: {  	v3 =	vld [tilespmem:s11+$0x280]  }
0x111: {  	s24 =	simm.s32 $0x200;
	s25 =	simm.s32 $0x40;
	v5 =	vadd.f32 v4, v63;
	v4 =	vld [tilespmem:s11+$0x300];
	[tilespmem:s16+$0x0] =	vst v62;
	v9 =	vadd.f32 v9, v7  }
0x112: {  	s26 =	sor.u32 s30, s0;
	s23 =	sor.u32 s1, s0;
	s22 =	simm.s32 $0x0;
	[tilespmem:s21+$0x0] =	vst v8;
	v8 =	vadd.f32 v11, v61;
	v7 =	vld [tilespmem:s11+$0x380]  }
.LBB2_9:
0x113: {  	s0 =	sand.u32 $0x40, s25;
	s1 =	sand.u32 $0x7C00, s24;
	v10 =	vld [tilespmem:s26+$0x0];
	v5 =	vadd.f32 v9, v5;
	v2 =	vadd.f32 v6, v2;
	s21 =	sadd.s32 $0x40, s21  }
0x114: {  	s1 =	sor.u32 $0x10000, s1;
	s11 =	sor.u32 $0x10, s0;
	s16 =	sor.u32 $0x30, s0;
	v6 =	vld [tilespmem:s23+$0x0]  }
0x115: {  	s30 =	sor.u32 s0, s1;
	v9 =	vld [tilespmem:s21+$0x0];
	s0 =	sor.u32 $0x20, s0;
	s17 =	sor.u32 s16, s1;
	v1 =	vadd.f32 v3, v1;
	v2 =	vadd.f32 v2, v8  }
0x116: {  	s29 =	sor.u32 s11, s1;
	s28 =	sor.u32 s0, s1;
	v3 =	vld [tilespmem:s17+$0x0]  }
0x117: {  	v8 =	vld [tilespmem:s17+$0x80];
	v4 =	vadd.f32 v7, v4  }
0x118: {  	v7 =	vld [tilespmem:s17+$0x100];
	v5 =	vadd.f32 v5, v10  }
0x119: {  	v10 =	vld [tilespmem:s17+$0x180];
	v1 =	vadd.f32 v4, v1  }
0x11a: {  	s22 =	sadd.s32 $0x4, s22;
	v4 =	vld [tilespmem:s17+$0x200];
	[tilespmem:s26+$0x0] =	vst v5  }
0x11b: {  	p1 =	slt.u32 s22, $0xFC;
	v5 =	vld [tilespmem:s17+$0x280];
	v1 =	vadd.f32 v1, v2  }
0x11c: {  	v2 =	vld [tilespmem:s17+$0x300]  }
0x11d: {  	v11 =	vld [tilespmem:s17+$0x380];
	v1 =	vadd.f32 v1, v6  }
0x11e: {  	v6 =	vld [tilespmem:s30+$0x0]  }
0x11f: {  	v12 =	vld [tilespmem:s30+$0x80];
	[tilespmem:s23+$0x0] =	vst v1  }
0x120: {  	s1 =	sand.u32 $0xF80, s25;
	v1 =	vld [tilespmem:s30+$0x100]  }
0x121: {  	s1 =	sor.u32 $0x18000, s1;
	v3 =	vadd.f32 v8, v3;
	v7 =	vadd.f32 v10, v7;
	v13 =	vld [tilespmem:s30+$0x180]  }
0x122: {  	s26 =	sor.u32 s11, s1;
	s23 =	sor.u32 s0, s1;
	s0 =	sor.u32 s16, s1;
	v4 =	vadd.f32 v5, v4;
	v8 =	vld [tilespmem:s30+$0x200];
	v2 =	vadd.f32 v11, v2  }
0x123: {  	v5 =	vld [tilespmem:s0+$0x0]  }
0x124: {  	v3 =	vadd.f32 v7, v3;
	v10 =	vld [tilespmem:s30+$0x280];
	v2 =	vadd.f32 v2, v4  }
0x125: {  	v4 =	vadd.f32 v12, v6;
	v6 =	vld [tilespmem:s30+$0x300]  }
0x126: {  	v1 =	vadd.f32 v13, v1;
	v7 =	vld [tilespmem:s30+$0x380];
	v2 =	vadd.f32 v2, v3  }
0x127: {  	v3 =	vld [tilespmem:s29+$0x0]  }
0x128: {  	v1 =	vadd.f32 v1, v4;
	v4 =	vld [tilespmem:s29+$0x80];
	v2 =	vadd.f32 v2, v5  }
0x129: {  	v5 =	vadd.f32 v10, v8;
	v8 =	vld [tilespmem:s29+$0x100]  }
0x12a: {  	v10 =	vld [tilespmem:s29+$0x180];
	[tilespmem:s0+$0x0] =	vst v2  }
0x12b: {  	v2 =	vadd.f32 v7, v6;
	v6 =	vld [tilespmem:s29+$0x200]  }
0x12c: {  	v7 =	vld [tilespmem:s29+$0x280]  }
0x12d: {  	v2 =	vadd.f32 v2, v5;
	v3 =	vadd.f32 v4, v3;
	v4 =	vld [tilespmem:s29+$0x300]  }
0x12e: {  	v11 =	vld [tilespmem:s29+$0x380]  }
0x12f: {  	v1 =	vadd.f32 v2, v1;
	v2 =	vadd.f32 v10, v8;
	v8 =	vld [tilespmem:s28+$0x0]  }
0x130: {  	v10 =	vld [tilespmem:s28+$0x80]  }
0x131: {  	v7 =	vadd.f32 v7, v6;
	v5 =	vadd.f32 v2, v3;
	v2 =	vld [tilespmem:s28+$0x100]  }
.Ltmp5:
0x132: {  	v3 =	vadd.f32 v1, v9;
	v6 =	vld [tilespmem:s28+$0x180];
	(pc) =	sbr.rel @p1 .LBB2_9-.Ltmp5, $4  }
0x133: {  	v4 =	vadd.f32 v11, v4;
	v1 =	vld [tilespmem:s28+$0x200]  }
0x134: {  	[tilespmem:s21+$0x0] =	vst v3;
	v3 =	vld [tilespmem:s28+$0x280]  }
0x135: {  	v9 =	vadd.f32 v4, v7;
	v8 =	vadd.f32 v10, v8;
	v4 =	vld [tilespmem:s28+$0x300]  }
0x136: {  	s24 =	sadd.s32 $0x200, s24;
	s25 =	sadd.s32 $0x40, s25;
	v7 =	vld [tilespmem:s28+$0x380]  }
0x137: {  	_ =	sdelay $0x2  }
0x138: {  	v2 =	vadd.f32 v6, v2  }
0x139: {  	v62 =	vld [tilespmem:s26+$0x0];
	v1 =	vadd.f32 v3, v1;
	v3 =	vadd.f32 v7, v4  }
0x13a: {  	v63 =	vld [tilespmem:s23+$0x0]  }
0x13b: {  	v2 =	vadd.f32 v2, v8;
	v1 =	vadd.f32 v3, v1  }
0x13c: {  	v3 =	vadd.f32 v9, v5  }
.Ltmp6:
0x13d: {  	v1 =	vadd.f32 v1, v2;
	(pc) =	sbr.rel @p0 .LBB2_12-.Ltmp6, $4  }
0x13e: {  	v2 =	vadd.f32 v3, v62  }
0x13f: {  	v1 =	vadd.f32 v1, v63  }
0x140: {  	[tilespmem:s26+$0x0] =	vst v2  }
0x141: {  	[tilespmem:s23+$0x0] =	vst v1  }
.Ltmp7:
0x142: {  	(pc) =	sbr.rel .LBB2_4-.Ltmp7, $2  }
0x143: {  	_ =	sdelay $0x2  }
0x144: {  	p0 =	por $0x1, $0x1;
	s21 =	smov.u32 s8  }
.LBB2_13:
0x145: {  	_ =	sfence.sel $0x180000  }
0x146: {  	[bflag:$0x0] =	sbarrier.arrive $0xFFFF  }
0x147: {  	_ =	strace $0x90000047  }
0x148: {  	s0 =	stileid.u32;
	[bflag:$0x2] =	sbarrier.arrive $0xFFFF  }
0x149: {  	p0 =	sne.s32 s0, $0x0;
	s0 =	rddreg [dreg:$0x2]  }
0x14a: {  	s0 =	sadd.s32 @!p0 $0x100000, s0  }
0x14b: {  	[sflag:s0] =	ssyncadd.tile.s32 @!p0 $0x1;
	_ =	shalt  }
.Lfunc_end2:
_tile_overlayer_lowered:
.L_overlay_start_2:
0x14c: {  	(tag) =	ssettag $0x2  }
0x14d: {  	s0 =	rddreg [dreg:$0x0];
	s2 =	stileid.u32  }
0x14e: {  	s1 =	rddreg [dreg:$0x1];
	p0 =	sne.s32 s2, $0x0  }
0x14f: {  	s3 =	rddreg [dreg:$0x2];
	[bflag:$0x3] =	sbarrier.arrive $0xFFFF;
	s2 =	simm.s32 @!p0 $0x1C04  }
0x150: {  	[timem:s3], [sflag:s2] =	dma.local @!p0 [hbm:s0], s1  }
0x151: {  	s0 =	simm.s32 @!p0 $0x4  }
0x152: {  	_ =	swait.ge @!p0 [sflag:s0], s1  }
0x153: {  	s1 =	ssub.s32 @!p0 $0x0, s1;
	[sflag:s0] =	ssyncset.done @!p0 $0x0  }
0x154: {  	[sflag:s0] =	ssyncadd.s32 @!p0 s1  }
0x155: {  	[bflag:$0x3] =	sbarrier.arrive $0xFFFF  }
0x156: {  	_ =	shalt  }

</sc_bundles>
